<compile_context>
chip_gen: v7x
topology: tpu7x:2x2x1
jax: 0.10.2.dev20260603
libtpu: 0.0.44.dev20260713+nightly
codegen_flags: <defaults>
</compile_context>

<pallas_src>
import functools

import jax
import jax.numpy as jnp
from jax import lax
from jax.experimental import pallas as pl
from jax.experimental.pallas import tpu as pltpu
from jax.experimental.pallas import tpu_sc as plsc

B, S, V, D, C = 4096, 200, 100000, 100, 90
NC, NS = 2, 16
NW = NC * NS
BPW = B // NW
HALF = S // 2
DPAD = 128
NCH = DPAD // 16


OFFS = (0, 16, 32, 48, 64, 80, 84)
UNROLL = 4


def _pool_body(ids_hbm, table_hbm, out_hbm, idx_v, g_v, out_v,
               sem0, sem1, sem2):
    w = lax.axis_index("s") * NC + lax.axis_index("c")
    pltpu.sync_copy(ids_hbm.at[pl.ds(w * 2 * BPW, 2 * BPW)], idx_v)
    zero = jnp.zeros((16,), jnp.float32)
    sems = (sem0, sem1, sem2)

    def zero_pad(b, _):
        out_v[b, pl.ds(96, 16)] = zero
        out_v[b, pl.ds(112, 16)] = zero
        return 0

    lax.fori_loop(0, BPW, zero_pad, 0)

    def issue(b, buf, sem):
        pltpu.async_copy(
            table_hbm.at[idx_v.at[2 * b]], g_v.at[buf, pl.ds(0, HALF)], sem)
        pltpu.async_copy(
            table_hbm.at[idx_v.at[2 * b + 1]],
            g_v.at[buf, pl.ds(HALF, HALF)], sem)

    def drain(b, buf, sem):
        pltpu.make_async_copy(
            table_hbm.at[idx_v.at[2 * b]],
            g_v.at[buf, pl.ds(0, HALF)], sem).wait()
        pltpu.make_async_copy(
            table_hbm.at[idx_v.at[2 * b + 1]],
            g_v.at[buf, pl.ds(HALF, HALF)], sem).wait()

    def fold(b, buf):
        def tok_step(rq, acc):
            for u in range(UNROLL):
                r = UNROLL * rq + u
                acc = tuple(
                    acc[j] + g_v[buf, r, pl.ds(OFFS[j], 16)]
                    for j in range(len(OFFS)))
            return acc

        acc = lax.fori_loop(0, S // UNROLL, tok_step, (zero,) * len(OFFS))
        for j in range(len(OFFS)):
            out_v[b, pl.ds(OFFS[j], 16)] = acc[j]

    issue(0, 0, sems[0])
    issue(1, 1, sems[1])

    def tri_step(t, _):
        b = 3 * t
        issue(b + 2, 2, sems[2])
        drain(b, 0, sems[0])
        fold(b, 0)

        @pl.when(b + 3 < BPW)
        def _():
            issue(b + 3, 0, sems[0])

        drain(b + 1, 1, sems[1])
        fold(b + 1, 1)

        @pl.when(b + 4 < BPW)
        def _():
            issue(b + 4, 1, sems[1])

        drain(b + 2, 2, sems[2])
        fold(b + 2, 2)
        return 0

    lax.fori_loop(0, BPW // 3, tri_step, 0)
    drain(BPW - 2, 0, sems[0])
    fold(BPW - 2, 0)
    drain(BPW - 1, 1, sems[1])
    fold(BPW - 1, 1)
    pltpu.sync_copy(out_v, out_hbm.at[pl.ds(w * BPW, BPW)])


_pool = functools.partial(
    pl.kernel,
    out_type=jax.ShapeDtypeStruct((B, DPAD), jnp.float32),
    mesh=plsc.VectorSubcoreMesh(core_axis_name="c", subcore_axis_name="s"),
    scratch_types=[
        pltpu.VMEM((2 * BPW, HALF), jnp.int32),
        pltpu.VMEM((3, S, DPAD), jnp.float32),
        pltpu.VMEM((BPW, DPAD), jnp.float32),
        pltpu.SemaphoreType.DMA,
        pltpu.SemaphoreType.DMA,
        pltpu.SemaphoreType.DMA,
    ],
)(_pool_body)


_RBLK = 12800


def _pad_body(xt_ref, o_ref):
    xt = jnp.swapaxes(xt_ref[...], 0, 1)
    o_ref[...] = jnp.concatenate(
        [xt, jnp.zeros((_RBLK, DPAD - D), jnp.float32)], axis=-1)


def _pad_table(embedding_t):
    grid = (V + _RBLK - 1) // _RBLK
    return pl.pallas_call(
        _pad_body,
        grid=(grid,),
        in_specs=[pl.BlockSpec((D, _RBLK), lambda i: (0, i))],
        out_specs=pl.BlockSpec((_RBLK, DPAD), lambda i: (i, 0)),
        out_shape=jax.ShapeDtypeStruct((V, DPAD), jnp.float32),
    )(embedding_t)


def _mm_body(p_ref, w_ref, b_ref, o_ref):
    o_ref[...] = (
        jnp.dot(p_ref[...], w_ref[...], preferred_element_type=jnp.float32)
        * (1.0 / S) + b_ref[...])


def kernel(input_ids, embedding, fc_w, fc_b):
    ids2 = input_ids.reshape(2 * B, HALF)
    table_pad = _pad_table(embedding.T)
    sums = _pool(ids2, table_pad)
    fc_w_pad = jnp.pad(fc_w, ((0, DPAD - D), (0, 0)))
    gb = 512
    return pl.pallas_call(
        _mm_body,
        grid=(B // gb,),
        in_specs=[
            pl.BlockSpec((gb, DPAD), lambda i: (i, 0)),
            pl.BlockSpec((DPAD, C), lambda i: (0, 0)),
            pl.BlockSpec((1, C), lambda i: (0, 0)),
        ],
        out_specs=pl.BlockSpec((gb, C), lambda i: (i, 0)),
        out_shape=jax.ShapeDtypeStruct((B, C), jnp.float32),
    )(sums, fc_w_pad, fc_b.reshape(1, C))

# --- scband reference (transcript-rebuilt; emitter-appended) ---
"""Pipeline reference for scband-document-clf-31112743092310 (READ-ONLY COPY).

The authoritative reference and input builder live on the scoring server;
editing this copy changes nothing except your own understanding.
"""

import jax, jax.numpy as jnp
import numpy as np

BATCH = 4096
SEQ = 200
VOCAB = 100000
EMBED_DIM = 100
NUM_CLASSES = 90


def setup_inputs(seed: int = 0) -> dict:
    key = jax.random.key(seed)
    k1, k2, k3, k4 = jax.random.split(key, 4)
    input_ids = jax.random.randint(k1, (BATCH, SEQ), 0, VOCAB, dtype=jnp.int64 if jax.config.jax_enable_x64 else jnp.int32).astype(jnp.int32)
    embedding = jax.random.normal(k2, (VOCAB, EMBED_DIM), dtype=jnp.float32) * 0.1
    fc_w = jax.random.normal(k3, (EMBED_DIM, NUM_CLASSES), dtype=jnp.float32) * (1.0 / np.sqrt(EMBED_DIM))
    fc_b = jax.random.normal(k4, (NUM_CLASSES,), dtype=jnp.float32) * 0.01
    return {"input_ids": input_ids, "embedding": embedding, "fc_w": fc_w, "fc_b": fc_b}


def reference(input_ids, embedding, fc_w, fc_b):
    # embeds = self.embedding(input_ids)  -> gather rows from the table
    embeds = jnp.take(embedding, input_ids, axis=0)  # [B, L, D]
    # pooled = embeds.mean(dim=1)
    pooled = embeds.mean(axis=1)  # [B, D]
    # logits = self.fc(pooled)
    logits = pooled @ fc_w + fc_b  # [B, num_classes]
    return logits

if __name__ == "__main__":
    import jax
    _d = setup_inputs()
    print(jax.jit(kernel)(*tuple(_d.values())))

</pallas_src>

<mosaic_0001>
#map = affine_map<(d0, d1) -> (0, 0)>
module attributes {stable_mosaic.version = 14 : i64} {
  func.func @_pool_body(%arg0: i32, %arg1: i32, %arg2: memref<8192x100xi32, #tpu.memory_space<hbm>>, %arg3: memref<100000x128xf32, #tpu.memory_space<hbm>>, %arg4: memref<4096x128xf32, #tpu.memory_space<hbm>>, %arg5: memref<256x100xi32, #tpu.memory_space<vmem>>, %arg6: memref<3x200x128xf32, #tpu.memory_space<vmem>>, %arg7: memref<128x128xf32, #tpu.memory_space<vmem>>, %arg8: memref<!tpu.dma_semaphore, #tpu.memory_space<semaphore_mem>>, %arg9: memref<!tpu.dma_semaphore, #tpu.memory_space<semaphore_mem>>, %arg10: memref<!tpu.dma_semaphore, #tpu.memory_space<semaphore_mem>>) attributes {dimension_semantics = [#tpu.dimension_semantics<core_parallel>, #tpu.dimension_semantics<subcore_parallel>], iteration_bounds = array<i64: 2, 16>, scalar_prefetch = 0 : i64, scratch_operands = 6 : i64, tpu.core_type = #tpu.core_type<sc_vector_subcore>, window_params = [{transform_indices = #map}, {transform_indices = #map}, {transform_indices = #map}]} {
    %mul3A = arith.constant 2 : i32
    %mul3A_0 = arith.muli %arg1, %mul3A : i32
    %add3A = arith.addi %mul3A_0, %arg0 : i32
    %mul3A_1 = arith.constant 2 : i32
    %mul3A_2 = arith.muli %add3A, %mul3A_1 : i32
    %mul3A_3 = arith.constant 128 : i32
    %mul3A_4 = arith.muli %mul3A_2, %mul3A_3 : i32
    "tpu.region"() ({
      %run_scoped3A = tpu.sem_alloc : memref<!tpu.dma_semaphore, #tpu.memory_space<semaphore_mem>>
      %dma_start3A_210 = arith.constant 0 : i32
      %dma_start3A_211 = tpu.memref_slice %arg2[%mul3A_4, %dma_start3A_210] : memref<8192x100xi32, #tpu.memory_space<hbm>> -> memref<256x100xi32, #tpu.memory_space<hbm>>
      %dma_start3A_212 = arith.constant 0 : i32
      %dma_start3A_213 = tpu.memref_slice %arg2[%mul3A_4, %dma_start3A_212] : memref<8192x100xi32, #tpu.memory_space<hbm>> -> memref<256x100xi32, #tpu.memory_space<hbm>>
      tpu.enqueue_dma source(%dma_start3A_213 : memref<256x100xi32, #tpu.memory_space<hbm>>) target(%arg5 : memref<256x100xi32, #tpu.memory_space<vmem>>) target_semaphore(%run_scoped3A : memref<!tpu.dma_semaphore, #tpu.memory_space<semaphore_mem>>)
      %dma_wait3A_214 = arith.constant 0 : i32
      %dma_wait3A_215 = tpu.memref_slice %arg2[%mul3A_4, %dma_wait3A_214] : memref<8192x100xi32, #tpu.memory_space<hbm>> -> memref<256x100xi32, #tpu.memory_space<hbm>>
      %dma_wait3A_216 = arith.constant 0 : i32
      %dma_wait3A_217 = tpu.memref_slice %arg2[%mul3A_4, %dma_wait3A_216] : memref<8192x100xi32, #tpu.memory_space<hbm>> -> memref<256x100xi32, #tpu.memory_space<hbm>>
      tpu.wait_dma2 semaphore(%run_scoped3A : memref<!tpu.dma_semaphore, #tpu.memory_space<semaphore_mem>>) src(%dma_wait3A_217 : memref<256x100xi32, #tpu.memory_space<hbm>>) dst(%arg5 : memref<256x100xi32, #tpu.memory_space<vmem>>)
      tpu.yield
    }) : () -> ()
    %broadcast_in_dim3A = arith.constant 0.000000e+00 : f32
    %broadcast_in_dim3A_5 = vector.broadcast %broadcast_in_dim3A : f32 to vector<16xf32>
    %scan3A = arith.constant 0 : i32
    %scan3A_6 = arith.constant 0 : i32
    %scan3A_7 = arith.constant 128 : i32
    %scan3A_8 = arith.addi %scan3A_6, %scan3A_7 : i32
    %scan3A_9 = arith.constant 1 : i32
    %scan3A_10 = scf.for %scan3A_210 = %scan3A_6 to %scan3A_8 step %scan3A_9 iter_args(%scan3A_211 = %scan3A) -> (i32)  : i32 {
      %swap3A_212 = arith.index_cast %scan3A_210 : i32 to index
      %swap3A_213 = arith.constant 96 : index
      %swap3A_214 = tpu.vector_load %arg7[%swap3A_212, %swap3A_213] {strides = array<i32>} : memref<128x128xf32, #tpu.memory_space<vmem>>, vector<1x16xf32>,
      %swap3A_215 = vector.shape_cast %swap3A_214 : vector<1x16xf32> to vector<16xf32>
      %swap3A_216 = vector.shape_cast %broadcast_in_dim3A_5 : vector<16xf32> to vector<1x16xf32>
      tpu.vector_store %arg7[%swap3A_212, %swap3A_213], %swap3A_216 {strides = array<i32>} : memref<128x128xf32, #tpu.memory_space<vmem>>, vector<1x16xf32>,
      %swap3A_217 = arith.index_cast %scan3A_210 : i32 to index
      %swap3A_218 = arith.constant 112 : index
      %swap3A_219 = tpu.vector_load %arg7[%swap3A_217, %swap3A_218] {strides = array<i32>} : memref<128x128xf32, #tpu.memory_space<vmem>>, vector<1x16xf32>,
      %swap3A_220 = vector.shape_cast %swap3A_219 : vector<1x16xf32> to vector<16xf32>
      %swap3A_221 = vector.shape_cast %broadcast_in_dim3A_5 : vector<16xf32> to vector<1x16xf32>
      tpu.vector_store %arg7[%swap3A_217, %swap3A_218], %swap3A_221 {strides = array<i32>} : memref<128x128xf32, #tpu.memory_space<vmem>>, vector<1x16xf32>,
      %scan3A_222 = arith.constant 0 : i32
      scf.yield %scan3A_222 : i32
    }
    %scan3A_11 = arith.constant 128 : i32
    %dma_start3A = arith.constant 0 : i32
    %dma_start3A_12 = arith.constant 0 : i32
    %dma_start3A_13 = arith.constant 0 : i32
    %dma_start3A_14 = arith.constant 0 : i32
    %dma_start3A_15 = tpu.memref_slice %arg6[%dma_start3A_12, %dma_start3A_13, %dma_start3A_14] : memref<3x200x128xf32, #tpu.memory_space<vmem>> -> memref<1x100x128xf32, #tpu.memory_space<vmem>>
    %dma_start3A_16 = tpu.memref_squeeze %dma_start3A_15 : memref<1x100x128xf32, #tpu.memory_space<vmem>> -> memref<100x128xf32, #tpu.memory_space<vmem>>
    %dma_start3A_17 = arith.constant 0 : i32
    %dma_start3A_18 = tpu.memref_slice %arg5[%dma_start3A, %dma_start3A_17] : memref<256x100xi32, #tpu.memory_space<vmem>> -> memref<1x100xi32, #tpu.memory_space<vmem>>
    %dma_start3A_19 = tpu.memref_squeeze %dma_start3A_18 : memref<1x100xi32, #tpu.memory_space<vmem>> -> memref<100xi32, #tpu.memory_space<vmem>>
    %dma_start3A_20 = arith.constant 0 : i32
    %dma_start3A_21 = arith.constant 0 : i32
    %dma_start3A_22 = tpu.memref_slice %arg3[%dma_start3A_20, %dma_start3A_21] : memref<100000x128xf32, #tpu.memory_space<hbm>> -> memref<100000x128xf32, #tpu.memory_space<hbm>>
    tpu.enqueue_indirect_dma source(%dma_start3A_22 : memref<100000x128xf32, #tpu.memory_space<hbm>>) target(%dma_start3A_16 : memref<100x128xf32, #tpu.memory_space<vmem>>) offsets(%dma_start3A_19 : memref<100xi32, #tpu.memory_space<vmem>>) semaphore(%arg8 : memref<!tpu.dma_semaphore, #tpu.memory_space<semaphore_mem>>)
    %dma_start3A_23 = arith.constant 1 : i32
    %dma_start3A_24 = arith.constant 0 : i32
    %dma_start3A_25 = arith.constant 100 : i32
    %dma_start3A_26 = arith.constant 0 : i32
    %dma_start3A_27 = tpu.memref_slice %arg6[%dma_start3A_24, %dma_start3A_25, %dma_start3A_26] : memref<3x200x128xf32, #tpu.memory_space<vmem>> -> memref<1x100x128xf32, #tpu.memory_space<vmem>>
    %dma_start3A_28 = tpu.memref_squeeze %dma_start3A_27 : memref<1x100x128xf32, #tpu.memory_space<vmem>> -> memref<100x128xf32, #tpu.memory_space<vmem>>
    %dma_start3A_29 = arith.constant 0 : i32
    %dma_start3A_30 = tpu.memref_slice %arg5[%dma_start3A_23, %dma_start3A_29] : memref<256x100xi32, #tpu.memory_space<vmem>> -> memref<1x100xi32, #tpu.memory_space<vmem>>
    %dma_start3A_31 = tpu.memref_squeeze %dma_start3A_30 : memref<1x100xi32, #tpu.memory_space<vmem>> -> memref<100xi32, #tpu.memory_space<vmem>>
    %dma_start3A_32 = arith.constant 0 : i32
    %dma_start3A_33 = arith.constant 0 : i32
    %dma_start3A_34 = tpu.memref_slice %arg3[%dma_start3A_32, %dma_start3A_33] : memref<100000x128xf32, #tpu.memory_space<hbm>> -> memref<100000x128xf32, #tpu.memory_space<hbm>>
    tpu.enqueue_indirect_dma source(%dma_start3A_34 : memref<100000x128xf32, #tpu.memory_space<hbm>>) target(%dma_start3A_28 : memref<100x128xf32, #tpu.memory_space<vmem>>) offsets(%dma_start3A_31 : memref<100xi32, #tpu.memory_space<vmem>>) semaphore(%arg8 : memref<!tpu.dma_semaphore, #tpu.memory_space<semaphore_mem>>)
    %dma_start3A_35 = arith.constant 2 : i32
    %dma_start3A_36 = arith.constant 1 : i32
    %dma_start3A_37 = arith.constant 0 : i32
    %dma_start3A_38 = arith.constant 0 : i32
    %dma_start3A_39 = tpu.memref_slice %arg6[%dma_start3A_36, %dma_start3A_37, %dma_start3A_38] : memref<3x200x128xf32, #tpu.memory_space<vmem>> -> memref<1x100x128xf32, #tpu.memory_space<vmem>>
    %dma_start3A_40 = tpu.memref_squeeze %dma_start3A_39 : memref<1x100x128xf32, #tpu.memory_space<vmem>> -> memref<100x128xf32, #tpu.memory_space<vmem>>
    %dma_start3A_41 = arith.constant 0 : i32
    %dma_start3A_42 = tpu.memref_slice %arg5[%dma_start3A_35, %dma_start3A_41] : memref<256x100xi32, #tpu.memory_space<vmem>> -> memref<1x100xi32, #tpu.memory_space<vmem>>
    %dma_start3A_43 = tpu.memref_squeeze %dma_start3A_42 : memref<1x100xi32, #tpu.memory_space<vmem>> -> memref<100xi32, #tpu.memory_space<vmem>>
    %dma_start3A_44 = arith.constant 0 : i32
    %dma_start3A_45 = arith.constant 0 : i32
    %dma_start3A_46 = tpu.memref_slice %arg3[%dma_start3A_44, %dma_start3A_45] : memref<100000x128xf32, #tpu.memory_space<hbm>> -> memref<100000x128xf32, #tpu.memory_space<hbm>>
    tpu.enqueue_indirect_dma source(%dma_start3A_46 : memref<100000x128xf32, #tpu.memory_space<hbm>>) target(%dma_start3A_40 : memref<100x128xf32, #tpu.memory_space<vmem>>) offsets(%dma_start3A_43 : memref<100xi32, #tpu.memory_space<vmem>>) semaphore(%arg9 : memref<!tpu.dma_semaphore, #tpu.memory_space<semaphore_mem>>)
    %dma_start3A_47 = arith.constant 3 : i32
    %dma_start3A_48 = arith.constant 1 : i32
    %dma_start3A_49 = arith.constant 100 : i32
    %dma_start3A_50 = arith.constant 0 : i32
    %dma_start3A_51 = tpu.memref_slice %arg6[%dma_start3A_48, %dma_start3A_49, %dma_start3A_50] : memref<3x200x128xf32, #tpu.memory_space<vmem>> -> memref<1x100x128xf32, #tpu.memory_space<vmem>>
    %dma_start3A_52 = tpu.memref_squeeze %dma_start3A_51 : memref<1x100x128xf32, #tpu.memory_space<vmem>> -> memref<100x128xf32, #tpu.memory_space<vmem>>
    %dma_start3A_53 = arith.constant 0 : i32
    %dma_start3A_54 = tpu.memref_slice %arg5[%dma_start3A_47, %dma_start3A_53] : memref<256x100xi32, #tpu.memory_space<vmem>> -> memref<1x100xi32, #tpu.memory_space<vmem>>
    %dma_start3A_55 = tpu.memref_squeeze %dma_start3A_54 : memref<1x100xi32, #tpu.memory_space<vmem>> -> memref<100xi32, #tpu.memory_space<vmem>>
    %dma_start3A_56 = arith.constant 0 : i32
    %dma_start3A_57 = arith.constant 0 : i32
    %dma_start3A_58 = tpu.memref_slice %arg3[%dma_start3A_56, %dma_start3A_57] : memref<100000x128xf32, #tpu.memory_space<hbm>> -> memref<100000x128xf32, #tpu.memory_space<hbm>>
    tpu.enqueue_indirect_dma source(%dma_start3A_58 : memref<100000x128xf32, #tpu.memory_space<hbm>>) target(%dma_start3A_52 : memref<100x128xf32, #tpu.memory_space<vmem>>) offsets(%dma_start3A_55 : memref<100xi32, #tpu.memory_space<vmem>>) semaphore(%arg9 : memref<!tpu.dma_semaphore, #tpu.memory_space<semaphore_mem>>)
    %scan3A_59 = arith.constant 0 : i32
    %scan3A_60 = arith.constant 0 : i32
    %scan3A_61 = arith.constant 42 : i32
    %scan3A_62 = arith.addi %scan3A_60, %scan3A_61 : i32
    %scan3A_63 = arith.constant 1 : i32
    %scan3A_64 = scf.for %scan3A_210 = %scan3A_60 to %scan3A_62 step %scan3A_63 iter_args(%scan3A_211 = %scan3A_59) -> (i32)  : i32 {
      %mul3A_212 = arith.constant 3 : i32
      %mul3A_213 = arith.muli %mul3A_212, %scan3A_210 : i32
      %add3A_214 = arith.constant 2 : i32
      %add3A_215 = arith.addi %mul3A_213, %add3A_214 : i32
      %mul3A_216 = arith.constant 2 : i32
      %mul3A_217 = arith.muli %mul3A_216, %add3A_215 : i32
      %dma_start3A_218 = arith.constant 2 : i32
      %dma_start3A_219 = arith.constant 0 : i32
      %dma_start3A_220 = arith.constant 0 : i32
      %dma_start3A_221 = tpu.memref_slice %arg6[%dma_start3A_218, %dma_start3A_219, %dma_start3A_220] : memref<3x200x128xf32, #tpu.memory_space<vmem>> -> memref<1x100x128xf32, #tpu.memory_space<vmem>>
      %dma_start3A_222 = tpu.memref_squeeze %dma_start3A_221 : memref<1x100x128xf32, #tpu.memory_space<vmem>> -> memref<100x128xf32, #tpu.memory_space<vmem>>
      %dma_start3A_223 = arith.constant 0 : i32
      %dma_start3A_224 = tpu.memref_slice %arg5[%mul3A_217, %dma_start3A_223] : memref<256x100xi32, #tpu.memory_space<vmem>> -> memref<1x100xi32, #tpu.memory_space<vmem>>
      %dma_start3A_225 = tpu.memref_squeeze %dma_start3A_224 : memref<1x100xi32, #tpu.memory_space<vmem>> -> memref<100xi32, #tpu.memory_space<vmem>>
      %dma_start3A_226 = arith.constant 0 : i32
      %dma_start3A_227 = arith.constant 0 : i32
      %dma_start3A_228 = tpu.memref_slice %arg3[%dma_start3A_226, %dma_start3A_227] : memref<100000x128xf32, #tpu.memory_space<hbm>> -> memref<100000x128xf32, #tpu.memory_space<hbm>>
      tpu.enqueue_indirect_dma source(%dma_start3A_228 : memref<100000x128xf32, #tpu.memory_space<hbm>>) target(%dma_start3A_222 : memref<100x128xf32, #tpu.memory_space<vmem>>) offsets(%dma_start3A_225 : memref<100xi32, #tpu.memory_space<vmem>>) semaphore(%arg10 : memref<!tpu.dma_semaphore, #tpu.memory_space<semaphore_mem>>)
      %mul3A_229 = arith.constant 2 : i32
      %mul3A_230 = arith.muli %mul3A_229, %add3A_215 : i32
      %add3A_231 = arith.constant 1 : i32
      %add3A_232 = arith.addi %mul3A_230, %add3A_231 : i32
      %dma_start3A_233 = arith.constant 2 : i32
      %dma_start3A_234 = arith.constant 100 : i32
      %dma_start3A_235 = arith.constant 0 : i32
      %dma_start3A_236 = tpu.memref_slice %arg6[%dma_start3A_233, %dma_start3A_234, %dma_start3A_235] : memref<3x200x128xf32, #tpu.memory_space<vmem>> -> memref<1x100x128xf32, #tpu.memory_space<vmem>>
      %dma_start3A_237 = tpu.memref_squeeze %dma_start3A_236 : memref<1x100x128xf32, #tpu.memory_space<vmem>> -> memref<100x128xf32, #tpu.memory_space<vmem>>
      %dma_start3A_238 = arith.constant 0 : i32
      %dma_start3A_239 = tpu.memref_slice %arg5[%add3A_232, %dma_start3A_238] : memref<256x100xi32, #tpu.memory_space<vmem>> -> memref<1x100xi32, #tpu.memory_space<vmem>>
      %dma_start3A_240 = tpu.memref_squeeze %dma_start3A_239 : memref<1x100xi32, #tpu.memory_space<vmem>> -> memref<100xi32, #tpu.memory_space<vmem>>
      %dma_start3A_241 = arith.constant 0 : i32
      %dma_start3A_242 = arith.constant 0 : i32
      %dma_start3A_243 = tpu.memref_slice %arg3[%dma_start3A_241, %dma_start3A_242] : memref<100000x128xf32, #tpu.memory_space<hbm>> -> memref<100000x128xf32, #tpu.memory_space<hbm>>
      tpu.enqueue_indirect_dma source(%dma_start3A_243 : memref<100000x128xf32, #tpu.memory_space<hbm>>) target(%dma_start3A_237 : memref<100x128xf32, #tpu.memory_space<vmem>>) offsets(%dma_start3A_240 : memref<100xi32, #tpu.memory_space<vmem>>) semaphore(%arg10 : memref<!tpu.dma_semaphore, #tpu.memory_space<semaphore_mem>>)
      %mul3A_244 = arith.constant 2 : i32
      %mul3A_245 = arith.muli %mul3A_244, %mul3A_213 : i32
      %dma_wait3A_246 = arith.constant 0 : i32
      %dma_wait3A_247 = arith.constant 0 : i32
      %dma_wait3A_248 = arith.constant 0 : i32
      %dma_wait3A_249 = tpu.memref_slice %arg6[%dma_wait3A_246, %dma_wait3A_247, %dma_wait3A_248] : memref<3x200x128xf32, #tpu.memory_space<vmem>> -> memref<1x100x128xf32, #tpu.memory_space<vmem>>
      %dma_wait3A_250 = tpu.memref_squeeze %dma_wait3A_249 : memref<1x100x128xf32, #tpu.memory_space<vmem>> -> memref<100x128xf32, #tpu.memory_space<vmem>>
      %dma_wait3A_251 = arith.constant 0 : i32
      %dma_wait3A_252 = tpu.memref_slice %arg5[%mul3A_245, %dma_wait3A_251] : memref<256x100xi32, #tpu.memory_space<vmem>> -> memref<1x100xi32, #tpu.memory_space<vmem>>
      %dma_wait3A_253 = tpu.memref_squeeze %dma_wait3A_252 : memref<1x100xi32, #tpu.memory_space<vmem>> -> memref<100xi32, #tpu.memory_space<vmem>>
      %dma_wait3A_254 = arith.constant 0 : i32
      %dma_wait3A_255 = arith.constant 0 : i32
      %dma_wait3A_256 = tpu.memref_slice %arg3[%dma_wait3A_254, %dma_wait3A_255] : memref<100000x128xf32, #tpu.memory_space<hbm>> -> memref<100000x128xf32, #tpu.memory_space<hbm>>
      tpu.wait_indirect_dma semaphore(%arg8 : memref<!tpu.dma_semaphore, #tpu.memory_space<semaphore_mem>>) src(%dma_wait3A_256 : memref<100000x128xf32, #tpu.memory_space<hbm>>) dst(%dma_wait3A_250 : memref<100x128xf32, #tpu.memory_space<vmem>>)
      %mul3A_257 = arith.constant 2 : i32
      %mul3A_258 = arith.muli %mul3A_257, %mul3A_213 : i32
      %add3A_259 = arith.constant 1 : i32
      %add3A_260 = arith.addi %mul3A_258, %add3A_259 : i32
      %dma_wait3A_261 = arith.constant 0 : i32
      %dma_wait3A_262 = arith.constant 100 : i32
      %dma_wait3A_263 = arith.constant 0 : i32
      %dma_wait3A_264 = tpu.memref_slice %arg6[%dma_wait3A_261, %dma_wait3A_262, %dma_wait3A_263] : memref<3x200x128xf32, #tpu.memory_space<vmem>> -> memref<1x100x128xf32, #tpu.memory_space<vmem>>
      %dma_wait3A_265 = tpu.memref_squeeze %dma_wait3A_264 : memref<1x100x128xf32, #tpu.memory_space<vmem>> -> memref<100x128xf32, #tpu.memory_space<vmem>>
      %dma_wait3A_266 = arith.constant 0 : i32
      %dma_wait3A_267 = tpu.memref_slice %arg5[%add3A_260, %dma_wait3A_266] : memref<256x100xi32, #tpu.memory_space<vmem>> -> memref<1x100xi32, #tpu.memory_space<vmem>>
      %dma_wait3A_268 = tpu.memref_squeeze %dma_wait3A_267 : memref<1x100xi32, #tpu.memory_space<vmem>> -> memref<100xi32, #tpu.memory_space<vmem>>
      %dma_wait3A_269 = arith.constant 0 : i32
      %dma_wait3A_270 = arith.constant 0 : i32
      %dma_wait3A_271 = tpu.memref_slice %arg3[%dma_wait3A_269, %dma_wait3A_270] : memref<100000x128xf32, #tpu.memory_space<hbm>> -> memref<100000x128xf32, #tpu.memory_space<hbm>>
      tpu.wait_indirect_dma semaphore(%arg8 : memref<!tpu.dma_semaphore, #tpu.memory_space<semaphore_mem>>) src(%dma_wait3A_271 : memref<100000x128xf32, #tpu.memory_space<hbm>>) dst(%dma_wait3A_265 : memref<100x128xf32, #tpu.memory_space<vmem>>)
      %scan3A_272 = arith.constant 0 : i32
      %scan3A_273 = arith.constant 50 : i32
      %scan3A_274 = arith.addi %scan3A_272, %scan3A_273 : i32
      %scan3A_275 = arith.constant 1 : i32
      %scan3A_276:7 = scf.for %scan3A_471 = %scan3A_272 to %scan3A_274 step %scan3A_275 iter_args(%scan3A_472 = %broadcast_in_dim3A_5, %scan3A_473 = %broadcast_in_dim3A_5, %scan3A_474 = %broadcast_in_dim3A_5, %scan3A_475 = %broadcast_in_dim3A_5, %scan3A_476 = %broadcast_in_dim3A_5, %scan3A_477 = %broadcast_in_dim3A_5, %scan3A_478 = %broadcast_in_dim3A_5) -> (vector<16xf32>, vector<16xf32>, vector<16xf32>, vector<16xf32>, vector<16xf32>, vector<16xf32>, vector<16xf32>)  : i32 {
        %mul3A_479 = arith.constant 4 : i32
        %mul3A_480 = arith.muli %mul3A_479, %scan3A_471 : i32
        %add3A_481 = arith.constant 0 : i32
        %add3A_482 = arith.addi %mul3A_480, %add3A_481 : i32
        %get3A = arith.constant 0 : i32
        %get3A_483 = arith.index_cast %get3A : i32 to index
        %get3A_484 = arith.index_cast %add3A_482 : i32 to index
        %get3A_485 = arith.constant 0 : index
        %get3A_486 = tpu.vector_load %arg6[%get3A_483, %get3A_484, %get3A_485] {strides = array<i32>} : memref<3x200x128xf32, #tpu.memory_space<vmem>>, vector<1x1x16xf32>,
        %get3A_487 = vector.shape_cast %get3A_486 : vector<1x1x16xf32> to vector<16xf32>
        %add3A_488 = arith.addf %scan3A_472, %get3A_487 : vector<16xf32>
        %get3A_489 = arith.constant 0 : i32
        %get3A_490 = arith.index_cast %get3A_489 : i32 to index
        %get3A_491 = arith.index_cast %add3A_482 : i32 to index
        %get3A_492 = arith.constant 16 : index
        %get3A_493 = tpu.vector_load %arg6[%get3A_490, %get3A_491, %get3A_492] {strides = array<i32>} : memref<3x200x128xf32, #tpu.memory_space<vmem>>, vector<1x1x16xf32>,
        %get3A_494 = vector.shape_cast %get3A_493 : vector<1x1x16xf32> to vector<16xf32>
        %add3A_495 = arith.addf %scan3A_473, %get3A_494 : vector<16xf32>
        %get3A_496 = arith.constant 0 : i32
        %get3A_497 = arith.index_cast %get3A_496 : i32 to index
        %get3A_498 = arith.index_cast %add3A_482 : i32 to index
        %get3A_499 = arith.constant 32 : index
        %get3A_500 = tpu.vector_load %arg6[%get3A_497, %get3A_498, %get3A_499] {strides = array<i32>} : memref<3x200x128xf32, #tpu.memory_space<vmem>>, vector<1x1x16xf32>,
        %get3A_501 = vector.shape_cast %get3A_500 : vector<1x1x16xf32> to vector<16xf32>
        %add3A_502 = arith.addf %scan3A_474, %get3A_501 : vector<16xf32>
        %get3A_503 = arith.constant 0 : i32
        %get3A_504 = arith.index_cast %get3A_503 : i32 to index
        %get3A_505 = arith.index_cast %add3A_482 : i32 to index
        %get3A_506 = arith.constant 48 : index
        %get3A_507 = tpu.vector_load %arg6[%get3A_504, %get3A_505, %get3A_506] {strides = array<i32>} : memref<3x200x128xf32, #tpu.memory_space<vmem>>, vector<1x1x16xf32>,
        %get3A_508 = vector.shape_cast %get3A_507 : vector<1x1x16xf32> to vector<16xf32>
        %add3A_509 = arith.addf %scan3A_475, %get3A_508 : vector<16xf32>
        %get3A_510 = arith.constant 0 : i32
        %get3A_511 = arith.index_cast %get3A_510 : i32 to index
        %get3A_512 = arith.index_cast %add3A_482 : i32 to index
        %get3A_513 = arith.constant 64 : index
        %get3A_514 = tpu.vector_load %arg6[%get3A_511, %get3A_512, %get3A_513] {strides = array<i32>} : memref<3x200x128xf32, #tpu.memory_space<vmem>>, vector<1x1x16xf32>,
        %get3A_515 = vector.shape_cast %get3A_514 : vector<1x1x16xf32> to vector<16xf32>
        %add3A_516 = arith.addf %scan3A_476, %get3A_515 : vector<16xf32>
        %get3A_517 = arith.constant 0 : i32
        %get3A_518 = arith.index_cast %get3A_517 : i32 to index
        %get3A_519 = arith.index_cast %add3A_482 : i32 to index
        %get3A_520 = arith.constant 80 : index
        %get3A_521 = tpu.vector_load %arg6[%get3A_518, %get3A_519, %get3A_520] {strides = array<i32>} : memref<3x200x128xf32, #tpu.memory_space<vmem>>, vector<1x1x16xf32>,
        %get3A_522 = vector.shape_cast %get3A_521 : vector<1x1x16xf32> to vector<16xf32>
        %add3A_523 = arith.addf %scan3A_477, %get3A_522 : vector<16xf32>
        %get3A_524 = arith.constant 0 : i32
        %get3A_525 = arith.index_cast %get3A_524 : i32 to index
        %get3A_526 = arith.index_cast %add3A_482 : i32 to index
        %get3A_527 = arith.constant 84 : index
        %get3A_528 = tpu.vector_load %arg6[%get3A_525, %get3A_526, %get3A_527] {strides = array<i32>} : memref<3x200x128xf32, #tpu.memory_space<vmem>>, vector<1x1x16xf32>,
        %get3A_529 = vector.shape_cast %get3A_528 : vector<1x1x16xf32> to vector<16xf32>
        %add3A_530 = arith.addf %scan3A_478, %get3A_529 : vector<16xf32>
        %mul3A_531 = arith.constant 4 : i32
        %mul3A_532 = arith.muli %mul3A_531, %scan3A_471 : i32
        %add3A_533 = arith.constant 1 : i32
        %add3A_534 = arith.addi %mul3A_532, %add3A_533 : i32
        %get3A_535 = arith.constant 0 : i32
        %get3A_536 = arith.index_cast %get3A_535 : i32 to index
        %get3A_537 = arith.index_cast %add3A_534 : i32 to index
        %get3A_538 = arith.constant 0 : index
        %get3A_539 = tpu.vector_load %arg6[%get3A_536, %get3A_537, %get3A_538] {strides = array<i32>} : memref<3x200x128xf32, #tpu.memory_space<vmem>>, vector<1x1x16xf32>,
        %get3A_540 = vector.shape_cast %get3A_539 : vector<1x1x16xf32> to vector<16xf32>
        %add3A_541 = arith.addf %add3A_488, %get3A_540 : vector<16xf32>
        %get3A_542 = arith.constant 0 : i32
        %get3A_543 = arith.index_cast %get3A_542 : i32 to index
        %get3A_544 = arith.index_cast %add3A_534 : i32 to index
        %get3A_545 = arith.constant 16 : index
        %get3A_546 = tpu.vector_load %arg6[%get3A_543, %get3A_544, %get3A_545] {strides = array<i32>} : memref<3x200x128xf32, #tpu.memory_space<vmem>>, vector<1x1x16xf32>,
        %get3A_547 = vector.shape_cast %get3A_546 : vector<1x1x16xf32> to vector<16xf32>
        %add3A_548 = arith.addf %add3A_495, %get3A_547 : vector<16xf32>
        %get3A_549 = arith.constant 0 : i32
        %get3A_550 = arith.index_cast %get3A_549 : i32 to index
        %get3A_551 = arith.index_cast %add3A_534 : i32 to index
        %get3A_552 = arith.constant 32 : index
        %get3A_553 = tpu.vector_load %arg6[%get3A_550, %get3A_551, %get3A_552] {strides = array<i32>} : memref<3x200x128xf32, #tpu.memory_space<vmem>>, vector<1x1x16xf32>,
        %get3A_554 = vector.shape_cast %get3A_553 : vector<1x1x16xf32> to vector<16xf32>
        %add3A_555 = arith.addf %add3A_502, %get3A_554 : vector<16xf32>
        %get3A_556 = arith.constant 0 : i32
        %get3A_557 = arith.index_cast %get3A_556 : i32 to index
        %get3A_558 = arith.index_cast %add3A_534 : i32 to index
        %get3A_559 = arith.constant 48 : index
        %get3A_560 = tpu.vector_load %arg6[%get3A_557, %get3A_558, %get3A_559] {strides = array<i32>} : memref<3x200x128xf32, #tpu.memory_space<vmem>>, vector<1x1x16xf32>,
        %get3A_561 = vector.shape_cast %get3A_560 : vector<1x1x16xf32> to vector<16xf32>
        %add3A_562 = arith.addf %add3A_509, %get3A_561 : vector<16xf32>
        %get3A_563 = arith.constant 0 : i32
        %get3A_564 = arith.index_cast %get3A_563 : i32 to index
        %get3A_565 = arith.index_cast %add3A_534 : i32 to index
        %get3A_566 = arith.constant 64 : index
        %get3A_567 = tpu.vector_load %arg6[%get3A_564, %get3A_565, %get3A_566] {strides = array<i32>} : memref<3x200x128xf32, #tpu.memory_space<vmem>>, vector<1x1x16xf32>,
        %get3A_568 = vector.shape_cast %get3A_567 : vector<1x1x16xf32> to vector<16xf32>
        %add3A_569 = arith.addf %add3A_516, %get3A_568 : vector<16xf32>
        %get3A_570 = arith.constant 0 : i32
        %get3A_571 = arith.index_cast %get3A_570 : i32 to index
        %get3A_572 = arith.index_cast %add3A_534 : i32 to index
        %get3A_573 = arith.constant 80 : index
        %get3A_574 = tpu.vector_load %arg6[%get3A_571, %get3A_572, %get3A_573] {strides = array<i32>} : memref<3x200x128xf32, #tpu.memory_space<vmem>>, vector<1x1x16xf32>,
        %get3A_575 = vector.shape_cast %get3A_574 : vector<1x1x16xf32> to vector<16xf32>
        %add3A_576 = arith.addf %add3A_523, %get3A_575 : vector<16xf32>
        %get3A_577 = arith.constant 0 : i32
        %get3A_578 = arith.index_cast %get3A_577 : i32 to index
        %get3A_579 = arith.index_cast %add3A_534 : i32 to index
        %get3A_580 = arith.constant 84 : index
        %get3A_581 = tpu.vector_load %arg6[%get3A_578, %get3A_579, %get3A_580] {strides = array<i32>} : memref<3x200x128xf32, #tpu.memory_space<vmem>>, vector<1x1x16xf32>,
        %get3A_582 = vector.shape_cast %get3A_581 : vector<1x1x16xf32> to vector<16xf32>
        %add3A_583 = arith.addf %add3A_530, %get3A_582 : vector<16xf32>
        %mul3A_584 = arith.constant 4 : i32
        %mul3A_585 = arith.muli %mul3A_584, %scan3A_471 : i32
        %add3A_586 = arith.constant 2 : i32
        %add3A_587 = arith.addi %mul3A_585, %add3A_586 : i32
        %get3A_588 = arith.constant 0 : i32
        %get3A_589 = arith.index_cast %get3A_588 : i32 to index
        %get3A_590 = arith.index_cast %add3A_587 : i32 to index
        %get3A_591 = arith.constant 0 : index
        %get3A_592 = tpu.vector_load %arg6[%get3A_589, %get3A_590, %get3A_591] {strides = array<i32>} : memref<3x200x128xf32, #tpu.memory_space<vmem>>, vector<1x1x16xf32>,
        %get3A_593 = vector.shape_cast %get3A_592 : vector<1x1x16xf32> to vector<16xf32>
        %add3A_594 = arith.addf %add3A_541, %get3A_593 : vector<16xf32>
        %get3A_595 = arith.constant 0 : i32
        %get3A_596 = arith.index_cast %get3A_595 : i32 to index
        %get3A_597 = arith.index_cast %add3A_587 : i32 to index
        %get3A_598 = arith.constant 16 : index
        %get3A_599 = tpu.vector_load %arg6[%get3A_596, %get3A_597, %get3A_598] {strides = array<i32>} : memref<3x200x128xf32, #tpu.memory_space<vmem>>, vector<1x1x16xf32>,
        %get3A_600 = vector.shape_cast %get3A_599 : vector<1x1x16xf32> to vector<16xf32>
        %add3A_601 = arith.addf %add3A_548, %get3A_600 : vector<16xf32>
        %get3A_602 = arith.constant 0 : i32
        %get3A_603 = arith.index_cast %get3A_602 : i32 to index
        %get3A_604 = arith.index_cast %add3A_587 : i32 to index
        %get3A_605 = arith.constant 32 : index
        %get3A_606 = tpu.vector_load %arg6[%get3A_603, %get3A_604, %get3A_605] {strides = array<i32>} : memref<3x200x128xf32, #tpu.memory_space<vmem>>, vector<1x1x16xf32>,
        %get3A_607 = vector.shape_cast %get3A_606 : vector<1x1x16xf32> to vector<16xf32>
        %add3A_608 = arith.addf %add3A_555, %get3A_607 : vector<16xf32>
        %get3A_609 = arith.constant 0 : i32
        %get3A_610 = arith.index_cast %get3A_609 : i32 to index
        %get3A_611 = arith.index_cast %add3A_587 : i32 to index
        %get3A_612 = arith.constant 48 : index
        %get3A_613 = tpu.vector_load %arg6[%get3A_610, %get3A_611, %get3A_612] {strides = array<i32>} : memref<3x200x128xf32, #tpu.memory_space<vmem>>, vector<1x1x16xf32>,
        %get3A_614 = vector.shape_cast %get3A_613 : vector<1x1x16xf32> to vector<16xf32>
        %add3A_615 = arith.addf %add3A_562, %get3A_614 : vector<16xf32>
        %get3A_616 = arith.constant 0 : i32
        %get3A_617 = arith.index_cast %get3A_616 : i32 to index
        %get3A_618 = arith.index_cast %add3A_587 : i32 to index
        %get3A_619 = arith.constant 64 : index
        %get3A_620 = tpu.vector_load %arg6[%get3A_617, %get3A_618, %get3A_619] {strides = array<i32>} : memref<3x200x128xf32, #tpu.memory_space<vmem>>, vector<1x1x16xf32>,
        %get3A_621 = vector.shape_cast %get3A_620 : vector<1x1x16xf32> to vector<16xf32>
        %add3A_622 = arith.addf %add3A_569, %get3A_621 : vector<16xf32>
        %get3A_623 = arith.constant 0 : i32
        %get3A_624 = arith.index_cast %get3A_623 : i32 to index
        %get3A_625 = arith.index_cast %add3A_587 : i32 to index
        %get3A_626 = arith.constant 80 : index
        %get3A_627 = tpu.vector_load %arg6[%get3A_624, %get3A_625, %get3A_626] {strides = array<i32>} : memref<3x200x128xf32, #tpu.memory_space<vmem>>, vector<1x1x16xf32>,
        %get3A_628 = vector.shape_cast %get3A_627 : vector<1x1x16xf32> to vector<16xf32>
        %add3A_629 = arith.addf %add3A_576, %get3A_628 : vector<16xf32>
        %get3A_630 = arith.constant 0 : i32
        %get3A_631 = arith.index_cast %get3A_630 : i32 to index
        %get3A_632 = arith.index_cast %add3A_587 : i32 to index
        %get3A_633 = arith.constant 84 : index
        %get3A_634 = tpu.vector_load %arg6[%get3A_631, %get3A_632, %get3A_633] {strides = array<i32>} : memref<3x200x128xf32, #tpu.memory_space<vmem>>, vector<1x1x16xf32>,
        %get3A_635 = vector.shape_cast %get3A_634 : vector<1x1x16xf32> to vector<16xf32>
        %add3A_636 = arith.addf %add3A_583, %get3A_635 : vector<16xf32>
        %mul3A_637 = arith.constant 4 : i32
        %mul3A_638 = arith.muli %mul3A_637, %scan3A_471 : i32
        %add3A_639 = arith.constant 3 : i32
        %add3A_640 = arith.addi %mul3A_638, %add3A_639 : i32
        %get3A_641 = arith.constant 0 : i32
        %get3A_642 = arith.index_cast %get3A_641 : i32 to index
        %get3A_643 = arith.index_cast %add3A_640 : i32 to index
        %get3A_644 = arith.constant 0 : index
        %get3A_645 = tpu.vector_load %arg6[%get3A_642, %get3A_643, %get3A_644] {strides = array<i32>} : memref<3x200x128xf32, #tpu.memory_space<vmem>>, vector<1x1x16xf32>,
        %get3A_646 = vector.shape_cast %get3A_645 : vector<1x1x16xf32> to vector<16xf32>
        %add3A_647 = arith.addf %add3A_594, %get3A_646 : vector<16xf32>
        %get3A_648 = arith.constant 0 : i32
        %get3A_649 = arith.index_cast %get3A_648 : i32 to index
        %get3A_650 = arith.index_cast %add3A_640 : i32 to index
        %get3A_651 = arith.constant 16 : index
        %get3A_652 = tpu.vector_load %arg6[%get3A_649, %get3A_650, %get3A_651] {strides = array<i32>} : memref<3x200x128xf32, #tpu.memory_space<vmem>>, vector<1x1x16xf32>,
        %get3A_653 = vector.shape_cast %get3A_652 : vector<1x1x16xf32> to vector<16xf32>
        %add3A_654 = arith.addf %add3A_601, %get3A_653 : vector<16xf32>
        %get3A_655 = arith.constant 0 : i32
        %get3A_656 = arith.index_cast %get3A_655 : i32 to index
        %get3A_657 = arith.index_cast %add3A_640 : i32 to index
        %get3A_658 = arith.constant 32 : index
        %get3A_659 = tpu.vector_load %arg6[%get3A_656, %get3A_657, %get3A_658] {strides = array<i32>} : memref<3x200x128xf32, #tpu.memory_space<vmem>>, vector<1x1x16xf32>,
        %get3A_660 = vector.shape_cast %get3A_659 : vector<1x1x16xf32> to vector<16xf32>
        %add3A_661 = arith.addf %add3A_608, %get3A_660 : vector<16xf32>
        %get3A_662 = arith.constant 0 : i32
        %get3A_663 = arith.index_cast %get3A_662 : i32 to index
        %get3A_664 = arith.index_cast %add3A_640 : i32 to index
        %get3A_665 = arith.constant 48 : index
        %get3A_666 = tpu.vector_load %arg6[%get3A_663, %get3A_664, %get3A_665] {strides = array<i32>} : memref<3x200x128xf32, #tpu.memory_space<vmem>>, vector<1x1x16xf32>,
        %get3A_667 = vector.shape_cast %get3A_666 : vector<1x1x16xf32> to vector<16xf32>
        %add3A_668 = arith.addf %add3A_615, %get3A_667 : vector<16xf32>
        %get3A_669 = arith.constant 0 : i32
        %get3A_670 = arith.index_cast %get3A_669 : i32 to index
        %get3A_671 = arith.index_cast %add3A_640 : i32 to index
        %get3A_672 = arith.constant 64 : index
        %get3A_673 = tpu.vector_load %arg6[%get3A_670, %get3A_671, %get3A_672] {strides = array<i32>} : memref<3x200x128xf32, #tpu.memory_space<vmem>>, vector<1x1x16xf32>,
        %get3A_674 = vector.shape_cast %get3A_673 : vector<1x1x16xf32> to vector<16xf32>
        %add3A_675 = arith.addf %add3A_622, %get3A_674 : vector<16xf32>
        %get3A_676 = arith.constant 0 : i32
        %get3A_677 = arith.index_cast %get3A_676 : i32 to index
        %get3A_678 = arith.index_cast %add3A_640 : i32 to index
        %get3A_679 = arith.constant 80 : index
        %get3A_680 = tpu.vector_load %arg6[%get3A_677, %get3A_678, %get3A_679] {strides = array<i32>} : memref<3x200x128xf32, #tpu.memory_space<vmem>>, vector<1x1x16xf32>,
        %get3A_681 = vector.shape_cast %get3A_680 : vector<1x1x16xf32> to vector<16xf32>
        %add3A_682 = arith.addf %add3A_629, %get3A_681 : vector<16xf32>
        %get3A_683 = arith.constant 0 : i32
        %get3A_684 = arith.index_cast %get3A_683 : i32 to index
        %get3A_685 = arith.index_cast %add3A_640 : i32 to index
        %get3A_686 = arith.constant 84 : index
        %get3A_687 = tpu.vector_load %arg6[%get3A_684, %get3A_685, %get3A_686] {strides = array<i32>} : memref<3x200x128xf32, #tpu.memory_space<vmem>>, vector<1x1x16xf32>,
        %get3A_688 = vector.shape_cast %get3A_687 : vector<1x1x16xf32> to vector<16xf32>
        %add3A_689 = arith.addf %add3A_636, %get3A_688 : vector<16xf32>
        scf.yield %add3A_647, %add3A_654, %add3A_661, %add3A_668, %add3A_675, %add3A_682, %add3A_689 : vector<16xf32>, vector<16xf32>, vector<16xf32>, vector<16xf32>, vector<16xf32>, vector<16xf32>, vector<16xf32>
      }
      %scan3A_277 = arith.constant 50 : i32
      %swap3A_278 = arith.index_cast %mul3A_213 : i32 to index
      %swap3A_279 = arith.constant 0 : index
      %swap3A_280 = tpu.vector_load %arg7[%swap3A_278, %swap3A_279] {strides = array<i32>} : memref<128x128xf32, #tpu.memory_space<vmem>>, vector<1x16xf32>,
      %swap3A_281 = vector.shape_cast %swap3A_280 : vector<1x16xf32> to vector<16xf32>
      %swap3A_282 = vector.shape_cast %scan3A_276#0 : vector<16xf32> to vector<1x16xf32>
      tpu.vector_store %arg7[%swap3A_278, %swap3A_279], %swap3A_282 {strides = array<i32>} : memref<128x128xf32, #tpu.memory_space<vmem>>, vector<1x16xf32>,
      %swap3A_283 = arith.index_cast %mul3A_213 : i32 to index
      %swap3A_284 = arith.constant 16 : index
      %swap3A_285 = tpu.vector_load %arg7[%swap3A_283, %swap3A_284] {strides = array<i32>} : memref<128x128xf32, #tpu.memory_space<vmem>>, vector<1x16xf32>,
      %swap3A_286 = vector.shape_cast %swap3A_285 : vector<1x16xf32> to vector<16xf32>
      %swap3A_287 = vector.shape_cast %scan3A_276#1 : vector<16xf32> to vector<1x16xf32>
      tpu.vector_store %arg7[%swap3A_283, %swap3A_284], %swap3A_287 {strides = array<i32>} : memref<128x128xf32, #tpu.memory_space<vmem>>, vector<1x16xf32>,
      %swap3A_288 = arith.index_cast %mul3A_213 : i32 to index
      %swap3A_289 = arith.constant 32 : index
      %swap3A_290 = tpu.vector_load %arg7[%swap3A_288, %swap3A_289] {strides = array<i32>} : memref<128x128xf32, #tpu.memory_space<vmem>>, vector<1x16xf32>,
      %swap3A_291 = vector.shape_cast %swap3A_290 : vector<1x16xf32> to vector<16xf32>
      %swap3A_292 = vector.shape_cast %scan3A_276#2 : vector<16xf32> to vector<1x16xf32>
      tpu.vector_store %arg7[%swap3A_288, %swap3A_289], %swap3A_292 {strides = array<i32>} : memref<128x128xf32, #tpu.memory_space<vmem>>, vector<1x16xf32>,
      %swap3A_293 = arith.index_cast %mul3A_213 : i32 to index
      %swap3A_294 = arith.constant 48 : index
      %swap3A_295 = tpu.vector_load %arg7[%swap3A_293, %swap3A_294] {strides = array<i32>} : memref<128x128xf32, #tpu.memory_space<vmem>>, vector<1x16xf32>,
      %swap3A_296 = vector.shape_cast %swap3A_295 : vector<1x16xf32> to vector<16xf32>
      %swap3A_297 = vector.shape_cast %scan3A_276#3 : vector<16xf32> to vector<1x16xf32>
      tpu.vector_store %arg7[%swap3A_293, %swap3A_294], %swap3A_297 {strides = array<i32>} : memref<128x128xf32, #tpu.memory_space<vmem>>, vector<1x16xf32>,
      %swap3A_298 = arith.index_cast %mul3A_213 : i32 to index
      %swap3A_299 = arith.constant 64 : index
      %swap3A_300 = tpu.vector_load %arg7[%swap3A_298, %swap3A_299] {strides = array<i32>} : memref<128x128xf32, #tpu.memory_space<vmem>>, vector<1x16xf32>,
      %swap3A_301 = vector.shape_cast %swap3A_300 : vector<1x16xf32> to vector<16xf32>
      %swap3A_302 = vector.shape_cast %scan3A_276#4 : vector<16xf32> to vector<1x16xf32>
      tpu.vector_store %arg7[%swap3A_298, %swap3A_299], %swap3A_302 {strides = array<i32>} : memref<128x128xf32, #tpu.memory_space<vmem>>, vector<1x16xf32>,
      %swap3A_303 = arith.index_cast %mul3A_213 : i32 to index
      %swap3A_304 = arith.constant 80 : index
      %swap3A_305 = tpu.vector_load %arg7[%swap3A_303, %swap3A_304] {strides = array<i32>} : memref<128x128xf32, #tpu.memory_space<vmem>>, vector<1x16xf32>,
      %swap3A_306 = vector.shape_cast %swap3A_305 : vector<1x16xf32> to vector<16xf32>
      %swap3A_307 = vector.shape_cast %scan3A_276#5 : vector<16xf32> to vector<1x16xf32>
      tpu.vector_store %arg7[%swap3A_303, %swap3A_304], %swap3A_307 {strides = array<i32>} : memref<128x128xf32, #tpu.memory_space<vmem>>, vector<1x16xf32>,
      %swap3A_308 = arith.index_cast %mul3A_213 : i32 to index
      %swap3A_309 = arith.constant 84 : index
      %swap3A_310 = tpu.vector_load %arg7[%swap3A_308, %swap3A_309] {strides = array<i32>} : memref<128x128xf32, #tpu.memory_space<vmem>>, vector<1x16xf32>,
      %swap3A_311 = vector.shape_cast %swap3A_310 : vector<1x16xf32> to vector<16xf32>
      %swap3A_312 = vector.shape_cast %scan3A_276#6 : vector<16xf32> to vector<1x16xf32>
      tpu.vector_store %arg7[%swap3A_308, %swap3A_309], %swap3A_312 {strides = array<i32>} : memref<128x128xf32, #tpu.memory_space<vmem>>, vector<1x16xf32>,
      %add3A_313 = arith.constant 3 : i32
      %add3A_314 = arith.addi %mul3A_213, %add3A_313 : i32
      %lt3A = arith.constant 128 : i32
      %lt3A_315 = arith.cmpi slt, %add3A_314, %lt3A : i32
      %convert_element_type3A = arith.extui %lt3A_315 : i1 to i32
      %cond3A = arith.constant 0 : i32
      %cond3A_316 = arith.cmpi ne, %convert_element_type3A, %cond3A : i32
      scf.if %cond3A_316 {
        %add3A_471 = arith.constant 3 : i32
        %add3A_472 = arith.addi %mul3A_213, %add3A_471 : i32
        %mul3A_473 = arith.constant 2 : i32
        %mul3A_474 = arith.muli %mul3A_473, %add3A_472 : i32
        %dma_start3A_475 = arith.constant 0 : i32
        %dma_start3A_476 = arith.constant 0 : i32
        %dma_start3A_477 = arith.constant 0 : i32
        %dma_start3A_478 = tpu.memref_slice %arg6[%dma_start3A_475, %dma_start3A_476, %dma_start3A_477] : memref<3x200x128xf32, #tpu.memory_space<vmem>> -> memref<1x100x128xf32, #tpu.memory_space<vmem>>
        %dma_start3A_479 = tpu.memref_squeeze %dma_start3A_478 : memref<1x100x128xf32, #tpu.memory_space<vmem>> -> memref<100x128xf32, #tpu.memory_space<vmem>>
        %dma_start3A_480 = arith.constant 0 : i32
        %dma_start3A_481 = tpu.memref_slice %arg5[%mul3A_474, %dma_start3A_480] : memref<256x100xi32, #tpu.memory_space<vmem>> -> memref<1x100xi32, #tpu.memory_space<vmem>>
        %dma_start3A_482 = tpu.memref_squeeze %dma_start3A_481 : memref<1x100xi32, #tpu.memory_space<vmem>> -> memref<100xi32, #tpu.memory_space<vmem>>
        %dma_start3A_483 = arith.constant 0 : i32
        %dma_start3A_484 = arith.constant 0 : i32
        %dma_start3A_485 = tpu.memref_slice %arg3[%dma_start3A_483, %dma_start3A_484] : memref<100000x128xf32, #tpu.memory_space<hbm>> -> memref<100000x128xf32, #tpu.memory_space<hbm>>
        tpu.enqueue_indirect_dma source(%dma_start3A_485 : memref<100000x128xf32, #tpu.memory_space<hbm>>) target(%dma_start3A_479 : memref<100x128xf32, #tpu.memory_space<vmem>>) offsets(%dma_start3A_482 : memref<100xi32, #tpu.memory_space<vmem>>) semaphore(%arg8 : memref<!tpu.dma_semaphore, #tpu.memory_space<semaphore_mem>>)
        %mul3A_486 = arith.constant 2 : i32
        %mul3A_487 = arith.muli %mul3A_486, %add3A_472 : i32
        %add3A_488 = arith.constant 1 : i32
        %add3A_489 = arith.addi %mul3A_487, %add3A_488 : i32
        %dma_start3A_490 = arith.constant 0 : i32
        %dma_start3A_491 = arith.constant 100 : i32
        %dma_start3A_492 = arith.constant 0 : i32
        %dma_start3A_493 = tpu.memref_slice %arg6[%dma_start3A_490, %dma_start3A_491, %dma_start3A_492] : memref<3x200x128xf32, #tpu.memory_space<vmem>> -> memref<1x100x128xf32, #tpu.memory_space<vmem>>
        %dma_start3A_494 = tpu.memref_squeeze %dma_start3A_493 : memref<1x100x128xf32, #tpu.memory_space<vmem>> -> memref<100x128xf32, #tpu.memory_space<vmem>>
        %dma_start3A_495 = arith.constant 0 : i32
        %dma_start3A_496 = tpu.memref_slice %arg5[%add3A_489, %dma_start3A_495] : memref<256x100xi32, #tpu.memory_space<vmem>> -> memref<1x100xi32, #tpu.memory_space<vmem>>
        %dma_start3A_497 = tpu.memref_squeeze %dma_start3A_496 : memref<1x100xi32, #tpu.memory_space<vmem>> -> memref<100xi32, #tpu.memory_space<vmem>>
        %dma_start3A_498 = arith.constant 0 : i32
        %dma_start3A_499 = arith.constant 0 : i32
        %dma_start3A_500 = tpu.memref_slice %arg3[%dma_start3A_498, %dma_start3A_499] : memref<100000x128xf32, #tpu.memory_space<hbm>> -> memref<100000x128xf32, #tpu.memory_space<hbm>>
        tpu.enqueue_indirect_dma source(%dma_start3A_500 : memref<100000x128xf32, #tpu.memory_space<hbm>>) target(%dma_start3A_494 : memref<100x128xf32, #tpu.memory_space<vmem>>) offsets(%dma_start3A_497 : memref<100xi32, #tpu.memory_space<vmem>>) semaphore(%arg8 : memref<!tpu.dma_semaphore, #tpu.memory_space<semaphore_mem>>)
      } else {
      }
      %add3A_317 = arith.constant 1 : i32
      %add3A_318 = arith.addi %mul3A_213, %add3A_317 : i32
      %mul3A_319 = arith.constant 2 : i32
      %mul3A_320 = arith.muli %mul3A_319, %add3A_318 : i32
      %dma_wait3A_321 = arith.constant 1 : i32
      %dma_wait3A_322 = arith.constant 0 : i32
      %dma_wait3A_323 = arith.constant 0 : i32
      %dma_wait3A_324 = tpu.memref_slice %arg6[%dma_wait3A_321, %dma_wait3A_322, %dma_wait3A_323] : memref<3x200x128xf32, #tpu.memory_space<vmem>> -> memref<1x100x128xf32, #tpu.memory_space<vmem>>
      %dma_wait3A_325 = tpu.memref_squeeze %dma_wait3A_324 : memref<1x100x128xf32, #tpu.memory_space<vmem>> -> memref<100x128xf32, #tpu.memory_space<vmem>>
      %dma_wait3A_326 = arith.constant 0 : i32
      %dma_wait3A_327 = tpu.memref_slice %arg5[%mul3A_320, %dma_wait3A_326] : memref<256x100xi32, #tpu.memory_space<vmem>> -> memref<1x100xi32, #tpu.memory_space<vmem>>
      %dma_wait3A_328 = tpu.memref_squeeze %dma_wait3A_327 : memref<1x100xi32, #tpu.memory_space<vmem>> -> memref<100xi32, #tpu.memory_space<vmem>>
      %dma_wait3A_329 = arith.constant 0 : i32
      %dma_wait3A_330 = arith.constant 0 : i32
      %dma_wait3A_331 = tpu.memref_slice %arg3[%dma_wait3A_329, %dma_wait3A_330] : memref<100000x128xf32, #tpu.memory_space<hbm>> -> memref<100000x128xf32, #tpu.memory_space<hbm>>
      tpu.wait_indirect_dma semaphore(%arg9 : memref<!tpu.dma_semaphore, #tpu.memory_space<semaphore_mem>>) src(%dma_wait3A_331 : memref<100000x128xf32, #tpu.memory_space<hbm>>) dst(%dma_wait3A_325 : memref<100x128xf32, #tpu.memory_space<vmem>>)
      %mul3A_332 = arith.constant 2 : i32
      %mul3A_333 = arith.muli %mul3A_332, %add3A_318 : i32
      %add3A_334 = arith.constant 1 : i32
      %add3A_335 = arith.addi %mul3A_333, %add3A_334 : i32
      %dma_wait3A_336 = arith.constant 1 : i32
      %dma_wait3A_337 = arith.constant 100 : i32
      %dma_wait3A_338 = arith.constant 0 : i32
      %dma_wait3A_339 = tpu.memref_slice %arg6[%dma_wait3A_336, %dma_wait3A_337, %dma_wait3A_338] : memref<3x200x128xf32, #tpu.memory_space<vmem>> -> memref<1x100x128xf32, #tpu.memory_space<vmem>>
      %dma_wait3A_340 = tpu.memref_squeeze %dma_wait3A_339 : memref<1x100x128xf32, #tpu.memory_space<vmem>> -> memref<100x128xf32, #tpu.memory_space<vmem>>
      %dma_wait3A_341 = arith.constant 0 : i32
      %dma_wait3A_342 = tpu.memref_slice %arg5[%add3A_335, %dma_wait3A_341] : memref<256x100xi32, #tpu.memory_space<vmem>> -> memref<1x100xi32, #tpu.memory_space<vmem>>
      %dma_wait3A_343 = tpu.memref_squeeze %dma_wait3A_342 : memref<1x100xi32, #tpu.memory_space<vmem>> -> memref<100xi32, #tpu.memory_space<vmem>>
      %dma_wait3A_344 = arith.constant 0 : i32
      %dma_wait3A_345 = arith.constant 0 : i32
      %dma_wait3A_346 = tpu.memref_slice %arg3[%dma_wait3A_344, %dma_wait3A_345] : memref<100000x128xf32, #tpu.memory_space<hbm>> -> memref<100000x128xf32, #tpu.memory_space<hbm>>
      tpu.wait_indirect_dma semaphore(%arg9 : memref<!tpu.dma_semaphore, #tpu.memory_space<semaphore_mem>>) src(%dma_wait3A_346 : memref<100000x128xf32, #tpu.memory_space<hbm>>) dst(%dma_wait3A_340 : memref<100x128xf32, #tpu.memory_space<vmem>>)
      %add3A_347 = arith.constant 1 : i32
      %add3A_348 = arith.addi %mul3A_213, %add3A_347 : i32
      %scan3A_349 = arith.constant 0 : i32
      %scan3A_350 = arith.constant 50 : i32
      %scan3A_351 = arith.addi %scan3A_349, %scan3A_350 : i32
      %scan3A_352 = arith.constant 1 : i32
      %scan3A_353:7 = scf.for %scan3A_471 = %scan3A_349 to %scan3A_351 step %scan3A_352 iter_args(%scan3A_472 = %broadcast_in_dim3A_5, %scan3A_473 = %broadcast_in_dim3A_5, %scan3A_474 = %broadcast_in_dim3A_5, %scan3A_475 = %broadcast_in_dim3A_5, %scan3A_476 = %broadcast_in_dim3A_5, %scan3A_477 = %broadcast_in_dim3A_5, %scan3A_478 = %broadcast_in_dim3A_5) -> (vector<16xf32>, vector<16xf32>, vector<16xf32>, vector<16xf32>, vector<16xf32>, vector<16xf32>, vector<16xf32>)  : i32 {
        %mul3A_479 = arith.constant 4 : i32
        %mul3A_480 = arith.muli %mul3A_479, %scan3A_471 : i32
        %add3A_481 = arith.constant 0 : i32
        %add3A_482 = arith.addi %mul3A_480, %add3A_481 : i32
        %get3A = arith.constant 1 : i32
        %get3A_483 = arith.index_cast %get3A : i32 to index
        %get3A_484 = arith.index_cast %add3A_482 : i32 to index
        %get3A_485 = arith.constant 0 : index
        %get3A_486 = tpu.vector_load %arg6[%get3A_483, %get3A_484, %get3A_485] {strides = array<i32>} : memref<3x200x128xf32, #tpu.memory_space<vmem>>, vector<1x1x16xf32>,
        %get3A_487 = vector.shape_cast %get3A_486 : vector<1x1x16xf32> to vector<16xf32>
        %add3A_488 = arith.addf %scan3A_472, %get3A_487 : vector<16xf32>
        %get3A_489 = arith.constant 1 : i32
        %get3A_490 = arith.index_cast %get3A_489 : i32 to index
        %get3A_491 = arith.index_cast %add3A_482 : i32 to index
        %get3A_492 = arith.constant 16 : index
        %get3A_493 = tpu.vector_load %arg6[%get3A_490, %get3A_491, %get3A_492] {strides = array<i32>} : memref<3x200x128xf32, #tpu.memory_space<vmem>>, vector<1x1x16xf32>,
        %get3A_494 = vector.shape_cast %get3A_493 : vector<1x1x16xf32> to vector<16xf32>
        %add3A_495 = arith.addf %scan3A_473, %get3A_494 : vector<16xf32>
        %get3A_496 = arith.constant 1 : i32
        %get3A_497 = arith.index_cast %get3A_496 : i32 to index
        %get3A_498 = arith.index_cast %add3A_482 : i32 to index
        %get3A_499 = arith.constant 32 : index
        %get3A_500 = tpu.vector_load %arg6[%get3A_497, %get3A_498, %get3A_499] {strides = array<i32>} : memref<3x200x128xf32, #tpu.memory_space<vmem>>, vector<1x1x16xf32>,
        %get3A_501 = vector.shape_cast %get3A_500 : vector<1x1x16xf32> to vector<16xf32>
        %add3A_502 = arith.addf %scan3A_474, %get3A_501 : vector<16xf32>
        %get3A_503 = arith.constant 1 : i32
        %get3A_504 = arith.index_cast %get3A_503 : i32 to index
        %get3A_505 = arith.index_cast %add3A_482 : i32 to index
        %get3A_506 = arith.constant 48 : index
        %get3A_507 = tpu.vector_load %arg6[%get3A_504, %get3A_505, %get3A_506] {strides = array<i32>} : memref<3x200x128xf32, #tpu.memory_space<vmem>>, vector<1x1x16xf32>,
        %get3A_508 = vector.shape_cast %get3A_507 : vector<1x1x16xf32> to vector<16xf32>
        %add3A_509 = arith.addf %scan3A_475, %get3A_508 : vector<16xf32>
        %get3A_510 = arith.constant 1 : i32
        %get3A_511 = arith.index_cast %get3A_510 : i32 to index
        %get3A_512 = arith.index_cast %add3A_482 : i32 to index
        %get3A_513 = arith.constant 64 : index
        %get3A_514 = tpu.vector_load %arg6[%get3A_511, %get3A_512, %get3A_513] {strides = array<i32>} : memref<3x200x128xf32, #tpu.memory_space<vmem>>, vector<1x1x16xf32>,
        %get3A_515 = vector.shape_cast %get3A_514 : vector<1x1x16xf32> to vector<16xf32>
        %add3A_516 = arith.addf %scan3A_476, %get3A_515 : vector<16xf32>
        %get3A_517 = arith.constant 1 : i32
        %get3A_518 = arith.index_cast %get3A_517 : i32 to index
        %get3A_519 = arith.index_cast %add3A_482 : i32 to index
        %get3A_520 = arith.constant 80 : index
        %get3A_521 = tpu.vector_load %arg6[%get3A_518, %get3A_519, %get3A_520] {strides = array<i32>} : memref<3x200x128xf32, #tpu.memory_space<vmem>>, vector<1x1x16xf32>,
        %get3A_522 = vector.shape_cast %get3A_521 : vector<1x1x16xf32> to vector<16xf32>
        %add3A_523 = arith.addf %scan3A_477, %get3A_522 : vector<16xf32>
        %get3A_524 = arith.constant 1 : i32
        %get3A_525 = arith.index_cast %get3A_524 : i32 to index
        %get3A_526 = arith.index_cast %add3A_482 : i32 to index
        %get3A_527 = arith.constant 84 : index
        %get3A_528 = tpu.vector_load %arg6[%get3A_525, %get3A_526, %get3A_527] {strides = array<i32>} : memref<3x200x128xf32, #tpu.memory_space<vmem>>, vector<1x1x16xf32>,
        %get3A_529 = vector.shape_cast %get3A_528 : vector<1x1x16xf32> to vector<16xf32>
        %add3A_530 = arith.addf %scan3A_478, %get3A_529 : vector<16xf32>
        %mul3A_531 = arith.constant 4 : i32
        %mul3A_532 = arith.muli %mul3A_531, %scan3A_471 : i32
        %add3A_533 = arith.constant 1 : i32
        %add3A_534 = arith.addi %mul3A_532, %add3A_533 : i32
        %get3A_535 = arith.constant 1 : i32
        %get3A_536 = arith.index_cast %get3A_535 : i32 to index
        %get3A_537 = arith.index_cast %add3A_534 : i32 to index
        %get3A_538 = arith.constant 0 : index
        %get3A_539 = tpu.vector_load %arg6[%get3A_536, %get3A_537, %get3A_538] {strides = array<i32>} : memref<3x200x128xf32, #tpu.memory_space<vmem>>, vector<1x1x16xf32>,
        %get3A_540 = vector.shape_cast %get3A_539 : vector<1x1x16xf32> to vector<16xf32>
        %add3A_541 = arith.addf %add3A_488, %get3A_540 : vector<16xf32>
        %get3A_542 = arith.constant 1 : i32
        %get3A_543 = arith.index_cast %get3A_542 : i32 to index
        %get3A_544 = arith.index_cast %add3A_534 : i32 to index
        %get3A_545 = arith.constant 16 : index
        %get3A_546 = tpu.vector_load %arg6[%get3A_543, %get3A_544, %get3A_545] {strides = array<i32>} : memref<3x200x128xf32, #tpu.memory_space<vmem>>, vector<1x1x16xf32>,
        %get3A_547 = vector.shape_cast %get3A_546 : vector<1x1x16xf32> to vector<16xf32>
        %add3A_548 = arith.addf %add3A_495, %get3A_547 : vector<16xf32>
        %get3A_549 = arith.constant 1 : i32
        %get3A_550 = arith.index_cast %get3A_549 : i32 to index
        %get3A_551 = arith.index_cast %add3A_534 : i32 to index
        %get3A_552 = arith.constant 32 : index
        %get3A_553 = tpu.vector_load %arg6[%get3A_550, %get3A_551, %get3A_552] {strides = array<i32>} : memref<3x200x128xf32, #tpu.memory_space<vmem>>, vector<1x1x16xf32>,
        %get3A_554 = vector.shape_cast %get3A_553 : vector<1x1x16xf32> to vector<16xf32>
        %add3A_555 = arith.addf %add3A_502, %get3A_554 : vector<16xf32>
        %get3A_556 = arith.constant 1 : i32
        %get3A_557 = arith.index_cast %get3A_556 : i32 to index
        %get3A_558 = arith.index_cast %add3A_534 : i32 to index
        %get3A_559 = arith.constant 48 : index
        %get3A_560 = tpu.vector_load %arg6[%get3A_557, %get3A_558, %get3A_559] {strides = array<i32>} : memref<3x200x128xf32, #tpu.memory_space<vmem>>, vector<1x1x16xf32>,
        %get3A_561 = vector.shape_cast %get3A_560 : vector<1x1x16xf32> to vector<16xf32>
        %add3A_562 = arith.addf %add3A_509, %get3A_561 : vector<16xf32>
        %get3A_563 = arith.constant 1 : i32
        %get3A_564 = arith.index_cast %get3A_563 : i32 to index
        %get3A_565 = arith.index_cast %add3A_534 : i32 to index
        %get3A_566 = arith.constant 64 : index
        %get3A_567 = tpu.vector_load %arg6[%get3A_564, %get3A_565, %get3A_566] {strides = array<i32>} : memref<3x200x128xf32, #tpu.memory_space<vmem>>, vector<1x1x16xf32>,
        %get3A_568 = vector.shape_cast %get3A_567 : vector<1x1x16xf32> to vector<16xf32>
        %add3A_569 = arith.addf %add3A_516, %get3A_568 : vector<16xf32>
        %get3A_570 = arith.constant 1 : i32
        %get3A_571 = arith.index_cast %get3A_570 : i32 to index
        %get3A_572 = arith.index_cast %add3A_534 : i32 to index
        %get3A_573 = arith.constant 80 : index
        %get3A_574 = tpu.vector_load %arg6[%get3A_571, %get3A_572, %get3A_573] {strides = array<i32>} : memref<3x200x128xf32, #tpu.memory_space<vmem>>, vector<1x1x16xf32>,
        %get3A_575 = vector.shape_cast %get3A_574 : vector<1x1x16xf32> to vector<16xf32>
        %add3A_576 = arith.addf %add3A_523, %get3A_575 : vector<16xf32>
        %get3A_577 = arith.constant 1 : i32
        %get3A_578 = arith.index_cast %get3A_577 : i32 to index
        %get3A_579 = arith.index_cast %add3A_534 : i32 to index
        %get3A_580 = arith.constant 84 : index
        %get3A_581 = tpu.vector_load %arg6[%get3A_578, %get3A_579, %get3A_580] {strides = array<i32>} : memref<3x200x128xf32, #tpu.memory_space<vmem>>, vector<1x1x16xf32>,
        %get3A_582 = vector.shape_cast %get3A_581 : vector<1x1x16xf32> to vector<16xf32>
        %add3A_583 = arith.addf %add3A_530, %get3A_582 : vector<16xf32>
        %mul3A_584 = arith.constant 4 : i32
        %mul3A_585 = arith.muli %mul3A_584, %scan3A_471 : i32
        %add3A_586 = arith.constant 2 : i32
        %add3A_587 = arith.addi %mul3A_585, %add3A_586 : i32
        %get3A_588 = arith.constant 1 : i32
        %get3A_589 = arith.index_cast %get3A_588 : i32 to index
        %get3A_590 = arith.index_cast %add3A_587 : i32 to index
        %get3A_591 = arith.constant 0 : index
        %get3A_592 = tpu.vector_load %arg6[%get3A_589, %get3A_590, %get3A_591] {strides = array<i32>} : memref<3x200x128xf32, #tpu.memory_space<vmem>>, vector<1x1x16xf32>,
        %get3A_593 = vector.shape_cast %get3A_592 : vector<1x1x16xf32> to vector<16xf32>
        %add3A_594 = arith.addf %add3A_541, %get3A_593 : vector<16xf32>
        %get3A_595 = arith.constant 1 : i32
        %get3A_596 = arith.index_cast %get3A_595 : i32 to index
        %get3A_597 = arith.index_cast %add3A_587 : i32 to index
        %get3A_598 = arith.constant 16 : index
        %get3A_599 = tpu.vector_load %arg6[%get3A_596, %get3A_597, %get3A_598] {strides = array<i32>} : memref<3x200x128xf32, #tpu.memory_space<vmem>>, vector<1x1x16xf32>,
        %get3A_600 = vector.shape_cast %get3A_599 : vector<1x1x16xf32> to vector<16xf32>
        %add3A_601 = arith.addf %add3A_548, %get3A_600 : vector<16xf32>
        %get3A_602 = arith.constant 1 : i32
        %get3A_603 = arith.index_cast %get3A_602 : i32 to index
        %get3A_604 = arith.index_cast %add3A_587 : i32 to index
        %get3A_605 = arith.constant 32 : index
        %get3A_606 = tpu.vector_load %arg6[%get3A_603, %get3A_604, %get3A_605] {strides = array<i32>} : memref<3x200x128xf32, #tpu.memory_space<vmem>>, vector<1x1x16xf32>,
        %get3A_607 = vector.shape_cast %get3A_606 : vector<1x1x16xf32> to vector<16xf32>
        %add3A_608 = arith.addf %add3A_555, %get3A_607 : vector<16xf32>
        %get3A_609 = arith.constant 1 : i32
        %get3A_610 = arith.index_cast %get3A_609 : i32 to index
        %get3A_611 = arith.index_cast %add3A_587 : i32 to index
        %get3A_612 = arith.constant 48 : index
        %get3A_613 = tpu.vector_load %arg6[%get3A_610, %get3A_611, %get3A_612] {strides = array<i32>} : memref<3x200x128xf32, #tpu.memory_space<vmem>>, vector<1x1x16xf32>,
        %get3A_614 = vector.shape_cast %get3A_613 : vector<1x1x16xf32> to vector<16xf32>
        %add3A_615 = arith.addf %add3A_562, %get3A_614 : vector<16xf32>
        %get3A_616 = arith.constant 1 : i32
        %get3A_617 = arith.index_cast %get3A_616 : i32 to index
        %get3A_618 = arith.index_cast %add3A_587 : i32 to index
        %get3A_619 = arith.constant 64 : index
        %get3A_620 = tpu.vector_load %arg6[%get3A_617, %get3A_618, %get3A_619] {strides = array<i32>} : memref<3x200x128xf32, #tpu.memory_space<vmem>>, vector<1x1x16xf32>,
        %get3A_621 = vector.shape_cast %get3A_620 : vector<1x1x16xf32> to vector<16xf32>
        %add3A_622 = arith.addf %add3A_569, %get3A_621 : vector<16xf32>
        %get3A_623 = arith.constant 1 : i32
        %get3A_624 = arith.index_cast %get3A_623 : i32 to index
        %get3A_625 = arith.index_cast %add3A_587 : i32 to index
        %get3A_626 = arith.constant 80 : index
        %get3A_627 = tpu.vector_load %arg6[%get3A_624, %get3A_625, %get3A_626] {strides = array<i32>} : memref<3x200x128xf32, #tpu.memory_space<vmem>>, vector<1x1x16xf32>,
        %get3A_628 = vector.shape_cast %get3A_627 : vector<1x1x16xf32> to vector<16xf32>
        %add3A_629 = arith.addf %add3A_576, %get3A_628 : vector<16xf32>
        %get3A_630 = arith.constant 1 : i32
        %get3A_631 = arith.index_cast %get3A_630 : i32 to index
        %get3A_632 = arith.index_cast %add3A_587 : i32 to index
        %get3A_633 = arith.constant 84 : index
        %get3A_634 = tpu.vector_load %arg6[%get3A_631, %get3A_632, %get3A_633] {strides = array<i32>} : memref<3x200x128xf32, #tpu.memory_space<vmem>>, vector<1x1x16xf32>,
        %get3A_635 = vector.shape_cast %get3A_634 : vector<1x1x16xf32> to vector<16xf32>
        %add3A_636 = arith.addf %add3A_583, %get3A_635 : vector<16xf32>
        %mul3A_637 = arith.constant 4 : i32
        %mul3A_638 = arith.muli %mul3A_637, %scan3A_471 : i32
        %add3A_639 = arith.constant 3 : i32
        %add3A_640 = arith.addi %mul3A_638, %add3A_639 : i32
        %get3A_641 = arith.constant 1 : i32
        %get3A_642 = arith.index_cast %get3A_641 : i32 to index
        %get3A_643 = arith.index_cast %add3A_640 : i32 to index
        %get3A_644 = arith.constant 0 : index
        %get3A_645 = tpu.vector_load %arg6[%get3A_642, %get3A_643, %get3A_644] {strides = array<i32>} : memref<3x200x128xf32, #tpu.memory_space<vmem>>, vector<1x1x16xf32>,
        %get3A_646 = vector.shape_cast %get3A_645 : vector<1x1x16xf32> to vector<16xf32>
        %add3A_647 = arith.addf %add3A_594, %get3A_646 : vector<16xf32>
        %get3A_648 = arith.constant 1 : i32
        %get3A_649 = arith.index_cast %get3A_648 : i32 to index
        %get3A_650 = arith.index_cast %add3A_640 : i32 to index
        %get3A_651 = arith.constant 16 : index
        %get3A_652 = tpu.vector_load %arg6[%get3A_649, %get3A_650, %get3A_651] {strides = array<i32>} : memref<3x200x128xf32, #tpu.memory_space<vmem>>, vector<1x1x16xf32>,
        %get3A_653 = vector.shape_cast %get3A_652 : vector<1x1x16xf32> to vector<16xf32>
        %add3A_654 = arith.addf %add3A_601, %get3A_653 : vector<16xf32>
        %get3A_655 = arith.constant 1 : i32
        %get3A_656 = arith.index_cast %get3A_655 : i32 to index
        %get3A_657 = arith.index_cast %add3A_640 : i32 to index
        %get3A_658 = arith.constant 32 : index
        %get3A_659 = tpu.vector_load %arg6[%get3A_656, %get3A_657, %get3A_658] {strides = array<i32>} : memref<3x200x128xf32, #tpu.memory_space<vmem>>, vector<1x1x16xf32>,
        %get3A_660 = vector.shape_cast %get3A_659 : vector<1x1x16xf32> to vector<16xf32>
        %add3A_661 = arith.addf %add3A_608, %get3A_660 : vector<16xf32>
        %get3A_662 = arith.constant 1 : i32
        %get3A_663 = arith.index_cast %get3A_662 : i32 to index
        %get3A_664 = arith.index_cast %add3A_640 : i32 to index
        %get3A_665 = arith.constant 48 : index
        %get3A_666 = tpu.vector_load %arg6[%get3A_663, %get3A_664, %get3A_665] {strides = array<i32>} : memref<3x200x128xf32, #tpu.memory_space<vmem>>, vector<1x1x16xf32>,
        %get3A_667 = vector.shape_cast %get3A_666 : vector<1x1x16xf32> to vector<16xf32>
        %add3A_668 = arith.addf %add3A_615, %get3A_667 : vector<16xf32>
        %get3A_669 = arith.constant 1 : i32
        %get3A_670 = arith.index_cast %get3A_669 : i32 to index
        %get3A_671 = arith.index_cast %add3A_640 : i32 to index
        %get3A_672 = arith.constant 64 : index
        %get3A_673 = tpu.vector_load %arg6[%get3A_670, %get3A_671, %get3A_672] {strides = array<i32>} : memref<3x200x128xf32, #tpu.memory_space<vmem>>, vector<1x1x16xf32>,
        %get3A_674 = vector.shape_cast %get3A_673 : vector<1x1x16xf32> to vector<16xf32>
        %add3A_675 = arith.addf %add3A_622, %get3A_674 : vector<16xf32>
        %get3A_676 = arith.constant 1 : i32
        %get3A_677 = arith.index_cast %get3A_676 : i32 to index
        %get3A_678 = arith.index_cast %add3A_640 : i32 to index
        %get3A_679 = arith.constant 80 : index
        %get3A_680 = tpu.vector_load %arg6[%get3A_677, %get3A_678, %get3A_679] {strides = array<i32>} : memref<3x200x128xf32, #tpu.memory_space<vmem>>, vector<1x1x16xf32>,
        %get3A_681 = vector.shape_cast %get3A_680 : vector<1x1x16xf32> to vector<16xf32>
        %add3A_682 = arith.addf %add3A_629, %get3A_681 : vector<16xf32>
        %get3A_683 = arith.constant 1 : i32
        %get3A_684 = arith.index_cast %get3A_683 : i32 to index
        %get3A_685 = arith.index_cast %add3A_640 : i32 to index
        %get3A_686 = arith.constant 84 : index
        %get3A_687 = tpu.vector_load %arg6[%get3A_684, %get3A_685, %get3A_686] {strides = array<i32>} : memref<3x200x128xf32, #tpu.memory_space<vmem>>, vector<1x1x16xf32>,
        %get3A_688 = vector.shape_cast %get3A_687 : vector<1x1x16xf32> to vector<16xf32>
        %add3A_689 = arith.addf %add3A_636, %get3A_688 : vector<16xf32>
        scf.yield %add3A_647, %add3A_654, %add3A_661, %add3A_668, %add3A_675, %add3A_682, %add3A_689 : vector<16xf32>, vector<16xf32>, vector<16xf32>, vector<16xf32>, vector<16xf32>, vector<16xf32>, vector<16xf32>
      }
      %scan3A_354 = arith.constant 50 : i32
      %swap3A_355 = arith.index_cast %add3A_348 : i32 to index
      %swap3A_356 = arith.constant 0 : index
      %swap3A_357 = tpu.vector_load %arg7[%swap3A_355, %swap3A_356] {strides = array<i32>} : memref<128x128xf32, #tpu.memory_space<vmem>>, vector<1x16xf32>,
      %swap3A_358 = vector.shape_cast %swap3A_357 : vector<1x16xf32> to vector<16xf32>
      %swap3A_359 = vector.shape_cast %scan3A_353#0 : vector<16xf32> to vector<1x16xf32>
      tpu.vector_store %arg7[%swap3A_355, %swap3A_356], %swap3A_359 {strides = array<i32>} : memref<128x128xf32, #tpu.memory_space<vmem>>, vector<1x16xf32>,
      %swap3A_360 = arith.index_cast %add3A_348 : i32 to index
      %swap3A_361 = arith.constant 16 : index
      %swap3A_362 = tpu.vector_load %arg7[%swap3A_360, %swap3A_361] {strides = array<i32>} : memref<128x128xf32, #tpu.memory_space<vmem>>, vector<1x16xf32>,
      %swap3A_363 = vector.shape_cast %swap3A_362 : vector<1x16xf32> to vector<16xf32>
      %swap3A_364 = vector.shape_cast %scan3A_353#1 : vector<16xf32> to vector<1x16xf32>
      tpu.vector_store %arg7[%swap3A_360, %swap3A_361], %swap3A_364 {strides = array<i32>} : memref<128x128xf32, #tpu.memory_space<vmem>>, vector<1x16xf32>,
      %swap3A_365 = arith.index_cast %add3A_348 : i32 to index
      %swap3A_366 = arith.constant 32 : index
      %swap3A_367 = tpu.vector_load %arg7[%swap3A_365, %swap3A_366] {strides = array<i32>} : memref<128x128xf32, #tpu.memory_space<vmem>>, vector<1x16xf32>,
      %swap3A_368 = vector.shape_cast %swap3A_367 : vector<1x16xf32> to vector<16xf32>
      %swap3A_369 = vector.shape_cast %scan3A_353#2 : vector<16xf32> to vector<1x16xf32>
      tpu.vector_store %arg7[%swap3A_365, %swap3A_366], %swap3A_369 {strides = array<i32>} : memref<128x128xf32, #tpu.memory_space<vmem>>, vector<1x16xf32>,
      %swap3A_370 = arith.index_cast %add3A_348 : i32 to index
      %swap3A_371 = arith.constant 48 : index
      %swap3A_372 = tpu.vector_load %arg7[%swap3A_370, %swap3A_371] {strides = array<i32>} : memref<128x128xf32, #tpu.memory_space<vmem>>, vector<1x16xf32>,
      %swap3A_373 = vector.shape_cast %swap3A_372 : vector<1x16xf32> to vector<16xf32>
      %swap3A_374 = vector.shape_cast %scan3A_353#3 : vector<16xf32> to vector<1x16xf32>
      tpu.vector_store %arg7[%swap3A_370, %swap3A_371], %swap3A_374 {strides = array<i32>} : memref<128x128xf32, #tpu.memory_space<vmem>>, vector<1x16xf32>,
      %swap3A_375 = arith.index_cast %add3A_348 : i32 to index
      %swap3A_376 = arith.constant 64 : index
      %swap3A_377 = tpu.vector_load %arg7[%swap3A_375, %swap3A_376] {strides = array<i32>} : memref<128x128xf32, #tpu.memory_space<vmem>>, vector<1x16xf32>,
      %swap3A_378 = vector.shape_cast %swap3A_377 : vector<1x16xf32> to vector<16xf32>
      %swap3A_379 = vector.shape_cast %scan3A_353#4 : vector<16xf32> to vector<1x16xf32>
      tpu.vector_store %arg7[%swap3A_375, %swap3A_376], %swap3A_379 {strides = array<i32>} : memref<128x128xf32, #tpu.memory_space<vmem>>, vector<1x16xf32>,
      %swap3A_380 = arith.index_cast %add3A_348 : i32 to index
      %swap3A_381 = arith.constant 80 : index
      %swap3A_382 = tpu.vector_load %arg7[%swap3A_380, %swap3A_381] {strides = array<i32>} : memref<128x128xf32, #tpu.memory_space<vmem>>, vector<1x16xf32>,
      %swap3A_383 = vector.shape_cast %swap3A_382 : vector<1x16xf32> to vector<16xf32>
      %swap3A_384 = vector.shape_cast %scan3A_353#5 : vector<16xf32> to vector<1x16xf32>
      tpu.vector_store %arg7[%swap3A_380, %swap3A_381], %swap3A_384 {strides = array<i32>} : memref<128x128xf32, #tpu.memory_space<vmem>>, vector<1x16xf32>,
      %swap3A_385 = arith.index_cast %add3A_348 : i32 to index
      %swap3A_386 = arith.constant 84 : index
      %swap3A_387 = tpu.vector_load %arg7[%swap3A_385, %swap3A_386] {strides = array<i32>} : memref<128x128xf32, #tpu.memory_space<vmem>>, vector<1x16xf32>,
      %swap3A_388 = vector.shape_cast %swap3A_387 : vector<1x16xf32> to vector<16xf32>
      %swap3A_389 = vector.shape_cast %scan3A_353#6 : vector<16xf32> to vector<1x16xf32>
      tpu.vector_store %arg7[%swap3A_385, %swap3A_386], %swap3A_389 {strides = array<i32>} : memref<128x128xf32, #tpu.memory_space<vmem>>, vector<1x16xf32>,
      %add3A_390 = arith.constant 4 : i32
      %add3A_391 = arith.addi %mul3A_213, %add3A_390 : i32
      %lt3A_392 = arith.constant 128 : i32
      %lt3A_393 = arith.cmpi slt, %add3A_391, %lt3A_392 : i32
      %convert_element_type3A_394 = arith.extui %lt3A_393 : i1 to i32
      %cond3A_395 = arith.constant 0 : i32
      %cond3A_396 = arith.cmpi ne, %convert_element_type3A_394, %cond3A_395 : i32
      scf.if %cond3A_396 {
        %add3A_471 = arith.constant 4 : i32
        %add3A_472 = arith.addi %mul3A_213, %add3A_471 : i32
        %mul3A_473 = arith.constant 2 : i32
        %mul3A_474 = arith.muli %mul3A_473, %add3A_472 : i32
        %dma_start3A_475 = arith.constant 1 : i32
        %dma_start3A_476 = arith.constant 0 : i32
        %dma_start3A_477 = arith.constant 0 : i32
        %dma_start3A_478 = tpu.memref_slice %arg6[%dma_start3A_475, %dma_start3A_476, %dma_start3A_477] : memref<3x200x128xf32, #tpu.memory_space<vmem>> -> memref<1x100x128xf32, #tpu.memory_space<vmem>>
        %dma_start3A_479 = tpu.memref_squeeze %dma_start3A_478 : memref<1x100x128xf32, #tpu.memory_space<vmem>> -> memref<100x128xf32, #tpu.memory_space<vmem>>
        %dma_start3A_480 = arith.constant 0 : i32
        %dma_start3A_481 = tpu.memref_slice %arg5[%mul3A_474, %dma_start3A_480] : memref<256x100xi32, #tpu.memory_space<vmem>> -> memref<1x100xi32, #tpu.memory_space<vmem>>
        %dma_start3A_482 = tpu.memref_squeeze %dma_start3A_481 : memref<1x100xi32, #tpu.memory_space<vmem>> -> memref<100xi32, #tpu.memory_space<vmem>>
        %dma_start3A_483 = arith.constant 0 : i32
        %dma_start3A_484 = arith.constant 0 : i32
        %dma_start3A_485 = tpu.memref_slice %arg3[%dma_start3A_483, %dma_start3A_484] : memref<100000x128xf32, #tpu.memory_space<hbm>> -> memref<100000x128xf32, #tpu.memory_space<hbm>>
        tpu.enqueue_indirect_dma source(%dma_start3A_485 : memref<100000x128xf32, #tpu.memory_space<hbm>>) target(%dma_start3A_479 : memref<100x128xf32, #tpu.memory_space<vmem>>) offsets(%dma_start3A_482 : memref<100xi32, #tpu.memory_space<vmem>>) semaphore(%arg9 : memref<!tpu.dma_semaphore, #tpu.memory_space<semaphore_mem>>)
        %mul3A_486 = arith.constant 2 : i32
        %mul3A_487 = arith.muli %mul3A_486, %add3A_472 : i32
        %add3A_488 = arith.constant 1 : i32
        %add3A_489 = arith.addi %mul3A_487, %add3A_488 : i32
        %dma_start3A_490 = arith.constant 1 : i32
        %dma_start3A_491 = arith.constant 100 : i32
        %dma_start3A_492 = arith.constant 0 : i32
        %dma_start3A_493 = tpu.memref_slice %arg6[%dma_start3A_490, %dma_start3A_491, %dma_start3A_492] : memref<3x200x128xf32, #tpu.memory_space<vmem>> -> memref<1x100x128xf32, #tpu.memory_space<vmem>>
        %dma_start3A_494 = tpu.memref_squeeze %dma_start3A_493 : memref<1x100x128xf32, #tpu.memory_space<vmem>> -> memref<100x128xf32, #tpu.memory_space<vmem>>
        %dma_start3A_495 = arith.constant 0 : i32
        %dma_start3A_496 = tpu.memref_slice %arg5[%add3A_489, %dma_start3A_495] : memref<256x100xi32, #tpu.memory_space<vmem>> -> memref<1x100xi32, #tpu.memory_space<vmem>>
        %dma_start3A_497 = tpu.memref_squeeze %dma_start3A_496 : memref<1x100xi32, #tpu.memory_space<vmem>> -> memref<100xi32, #tpu.memory_space<vmem>>
        %dma_start3A_498 = arith.constant 0 : i32
        %dma_start3A_499 = arith.constant 0 : i32
        %dma_start3A_500 = tpu.memref_slice %arg3[%dma_start3A_498, %dma_start3A_499] : memref<100000x128xf32, #tpu.memory_space<hbm>> -> memref<100000x128xf32, #tpu.memory_space<hbm>>
        tpu.enqueue_indirect_dma source(%dma_start3A_500 : memref<100000x128xf32, #tpu.memory_space<hbm>>) target(%dma_start3A_494 : memref<100x128xf32, #tpu.memory_space<vmem>>) offsets(%dma_start3A_497 : memref<100xi32, #tpu.memory_space<vmem>>) semaphore(%arg9 : memref<!tpu.dma_semaphore, #tpu.memory_space<semaphore_mem>>)
      } else {
      }
      %add3A_397 = arith.constant 2 : i32
      %add3A_398 = arith.addi %mul3A_213, %add3A_397 : i32
      %mul3A_399 = arith.constant 2 : i32
      %mul3A_400 = arith.muli %mul3A_399, %add3A_398 : i32
      %dma_wait3A_401 = arith.constant 2 : i32
      %dma_wait3A_402 = arith.constant 0 : i32
      %dma_wait3A_403 = arith.constant 0 : i32
      %dma_wait3A_404 = tpu.memref_slice %arg6[%dma_wait3A_401, %dma_wait3A_402, %dma_wait3A_403] : memref<3x200x128xf32, #tpu.memory_space<vmem>> -> memref<1x100x128xf32, #tpu.memory_space<vmem>>
      %dma_wait3A_405 = tpu.memref_squeeze %dma_wait3A_404 : memref<1x100x128xf32, #tpu.memory_space<vmem>> -> memref<100x128xf32, #tpu.memory_space<vmem>>
      %dma_wait3A_406 = arith.constant 0 : i32
      %dma_wait3A_407 = tpu.memref_slice %arg5[%mul3A_400, %dma_wait3A_406] : memref<256x100xi32, #tpu.memory_space<vmem>> -> memref<1x100xi32, #tpu.memory_space<vmem>>
      %dma_wait3A_408 = tpu.memref_squeeze %dma_wait3A_407 : memref<1x100xi32, #tpu.memory_space<vmem>> -> memref<100xi32, #tpu.memory_space<vmem>>
      %dma_wait3A_409 = arith.constant 0 : i32
      %dma_wait3A_410 = arith.constant 0 : i32
      %dma_wait3A_411 = tpu.memref_slice %arg3[%dma_wait3A_409, %dma_wait3A_410] : memref<100000x128xf32, #tpu.memory_space<hbm>> -> memref<100000x128xf32, #tpu.memory_space<hbm>>
      tpu.wait_indirect_dma semaphore(%arg10 : memref<!tpu.dma_semaphore, #tpu.memory_space<semaphore_mem>>) src(%dma_wait3A_411 : memref<100000x128xf32, #tpu.memory_space<hbm>>) dst(%dma_wait3A_405 : memref<100x128xf32, #tpu.memory_space<vmem>>)
      %mul3A_412 = arith.constant 2 : i32
      %mul3A_413 = arith.muli %mul3A_412, %add3A_398 : i32
      %add3A_414 = arith.constant 1 : i32
      %add3A_415 = arith.addi %mul3A_413, %add3A_414 : i32
      %dma_wait3A_416 = arith.constant 2 : i32
      %dma_wait3A_417 = arith.constant 100 : i32
      %dma_wait3A_418 = arith.constant 0 : i32
      %dma_wait3A_419 = tpu.memref_slice %arg6[%dma_wait3A_416, %dma_wait3A_417, %dma_wait3A_418] : memref<3x200x128xf32, #tpu.memory_space<vmem>> -> memref<1x100x128xf32, #tpu.memory_space<vmem>>
      %dma_wait3A_420 = tpu.memref_squeeze %dma_wait3A_419 : memref<1x100x128xf32, #tpu.memory_space<vmem>> -> memref<100x128xf32, #tpu.memory_space<vmem>>
      %dma_wait3A_421 = arith.constant 0 : i32
      %dma_wait3A_422 = tpu.memref_slice %arg5[%add3A_415, %dma_wait3A_421] : memref<256x100xi32, #tpu.memory_space<vmem>> -> memref<1x100xi32, #tpu.memory_space<vmem>>
      %dma_wait3A_423 = tpu.memref_squeeze %dma_wait3A_422 : memref<1x100xi32, #tpu.memory_space<vmem>> -> memref<100xi32, #tpu.memory_space<vmem>>
      %dma_wait3A_424 = arith.constant 0 : i32
      %dma_wait3A_425 = arith.constant 0 : i32
      %dma_wait3A_426 = tpu.memref_slice %arg3[%dma_wait3A_424, %dma_wait3A_425] : memref<100000x128xf32, #tpu.memory_space<hbm>> -> memref<100000x128xf32, #tpu.memory_space<hbm>>
      tpu.wait_indirect_dma semaphore(%arg10 : memref<!tpu.dma_semaphore, #tpu.memory_space<semaphore_mem>>) src(%dma_wait3A_426 : memref<100000x128xf32, #tpu.memory_space<hbm>>) dst(%dma_wait3A_420 : memref<100x128xf32, #tpu.memory_space<vmem>>)
      %add3A_427 = arith.constant 2 : i32
      %add3A_428 = arith.addi %mul3A_213, %add3A_427 : i32
      %scan3A_429 = arith.constant 0 : i32
      %scan3A_430 = arith.constant 50 : i32
      %scan3A_431 = arith.addi %scan3A_429, %scan3A_430 : i32
      %scan3A_432 = arith.constant 1 : i32
      %scan3A_433:7 = scf.for %scan3A_471 = %scan3A_429 to %scan3A_431 step %scan3A_432 iter_args(%scan3A_472 = %broadcast_in_dim3A_5, %scan3A_473 = %broadcast_in_dim3A_5, %scan3A_474 = %broadcast_in_dim3A_5, %scan3A_475 = %broadcast_in_dim3A_5, %scan3A_476 = %broadcast_in_dim3A_5, %scan3A_477 = %broadcast_in_dim3A_5, %scan3A_478 = %broadcast_in_dim3A_5) -> (vector<16xf32>, vector<16xf32>, vector<16xf32>, vector<16xf32>, vector<16xf32>, vector<16xf32>, vector<16xf32>)  : i32 {
        %mul3A_479 = arith.constant 4 : i32
        %mul3A_480 = arith.muli %mul3A_479, %scan3A_471 : i32
        %add3A_481 = arith.constant 0 : i32
        %add3A_482 = arith.addi %mul3A_480, %add3A_481 : i32
        %get3A = arith.constant 2 : i32
        %get3A_483 = arith.index_cast %get3A : i32 to index
        %get3A_484 = arith.index_cast %add3A_482 : i32 to index
        %get3A_485 = arith.constant 0 : index
        %get3A_486 = tpu.vector_load %arg6[%get3A_483, %get3A_484, %get3A_485] {strides = array<i32>} : memref<3x200x128xf32, #tpu.memory_space<vmem>>, vector<1x1x16xf32>,
        %get3A_487 = vector.shape_cast %get3A_486 : vector<1x1x16xf32> to vector<16xf32>
        %add3A_488 = arith.addf %scan3A_472, %get3A_487 : vector<16xf32>
        %get3A_489 = arith.constant 2 : i32
        %get3A_490 = arith.index_cast %get3A_489 : i32 to index
        %get3A_491 = arith.index_cast %add3A_482 : i32 to index
        %get3A_492 = arith.constant 16 : index
        %get3A_493 = tpu.vector_load %arg6[%get3A_490, %get3A_491, %get3A_492] {strides = array<i32>} : memref<3x200x128xf32, #tpu.memory_space<vmem>>, vector<1x1x16xf32>,
        %get3A_494 = vector.shape_cast %get3A_493 : vector<1x1x16xf32> to vector<16xf32>
        %add3A_495 = arith.addf %scan3A_473, %get3A_494 : vector<16xf32>
        %get3A_496 = arith.constant 2 : i32
        %get3A_497 = arith.index_cast %get3A_496 : i32 to index
        %get3A_498 = arith.index_cast %add3A_482 : i32 to index
        %get3A_499 = arith.constant 32 : index
        %get3A_500 = tpu.vector_load %arg6[%get3A_497, %get3A_498, %get3A_499] {strides = array<i32>} : memref<3x200x128xf32, #tpu.memory_space<vmem>>, vector<1x1x16xf32>,
        %get3A_501 = vector.shape_cast %get3A_500 : vector<1x1x16xf32> to vector<16xf32>
        %add3A_502 = arith.addf %scan3A_474, %get3A_501 : vector<16xf32>
        %get3A_503 = arith.constant 2 : i32
        %get3A_504 = arith.index_cast %get3A_503 : i32 to index
        %get3A_505 = arith.index_cast %add3A_482 : i32 to index
        %get3A_506 = arith.constant 48 : index
        %get3A_507 = tpu.vector_load %arg6[%get3A_504, %get3A_505, %get3A_506] {strides = array<i32>} : memref<3x200x128xf32, #tpu.memory_space<vmem>>, vector<1x1x16xf32>,
        %get3A_508 = vector.shape_cast %get3A_507 : vector<1x1x16xf32> to vector<16xf32>
        %add3A_509 = arith.addf %scan3A_475, %get3A_508 : vector<16xf32>
        %get3A_510 = arith.constant 2 : i32
        %get3A_511 = arith.index_cast %get3A_510 : i32 to index
        %get3A_512 = arith.index_cast %add3A_482 : i32 to index
        %get3A_513 = arith.constant 64 : index
        %get3A_514 = tpu.vector_load %arg6[%get3A_511, %get3A_512, %get3A_513] {strides = array<i32>} : memref<3x200x128xf32, #tpu.memory_space<vmem>>, vector<1x1x16xf32>,
        %get3A_515 = vector.shape_cast %get3A_514 : vector<1x1x16xf32> to vector<16xf32>
        %add3A_516 = arith.addf %scan3A_476, %get3A_515 : vector<16xf32>
        %get3A_517 = arith.constant 2 : i32
        %get3A_518 = arith.index_cast %get3A_517 : i32 to index
        %get3A_519 = arith.index_cast %add3A_482 : i32 to index
        %get3A_520 = arith.constant 80 : index
        %get3A_521 = tpu.vector_load %arg6[%get3A_518, %get3A_519, %get3A_520] {strides = array<i32>} : memref<3x200x128xf32, #tpu.memory_space<vmem>>, vector<1x1x16xf32>,
        %get3A_522 = vector.shape_cast %get3A_521 : vector<1x1x16xf32> to vector<16xf32>
        %add3A_523 = arith.addf %scan3A_477, %get3A_522 : vector<16xf32>
        %get3A_524 = arith.constant 2 : i32
        %get3A_525 = arith.index_cast %get3A_524 : i32 to index
        %get3A_526 = arith.index_cast %add3A_482 : i32 to index
        %get3A_527 = arith.constant 84 : index
        %get3A_528 = tpu.vector_load %arg6[%get3A_525, %get3A_526, %get3A_527] {strides = array<i32>} : memref<3x200x128xf32, #tpu.memory_space<vmem>>, vector<1x1x16xf32>,
        %get3A_529 = vector.shape_cast %get3A_528 : vector<1x1x16xf32> to vector<16xf32>
        %add3A_530 = arith.addf %scan3A_478, %get3A_529 : vector<16xf32>
        %mul3A_531 = arith.constant 4 : i32
        %mul3A_532 = arith.muli %mul3A_531, %scan3A_471 : i32
        %add3A_533 = arith.constant 1 : i32
        %add3A_534 = arith.addi %mul3A_532, %add3A_533 : i32
        %get3A_535 = arith.constant 2 : i32
        %get3A_536 = arith.index_cast %get3A_535 : i32 to index
        %get3A_537 = arith.index_cast %add3A_534 : i32 to index
        %get3A_538 = arith.constant 0 : index
        %get3A_539 = tpu.vector_load %arg6[%get3A_536, %get3A_537, %get3A_538] {strides = array<i32>} : memref<3x200x128xf32, #tpu.memory_space<vmem>>, vector<1x1x16xf32>,
        %get3A_540 = vector.shape_cast %get3A_539 : vector<1x1x16xf32> to vector<16xf32>
        %add3A_541 = arith.addf %add3A_488, %get3A_540 : vector<16xf32>
        %get3A_542 = arith.constant 2 : i32
        %get3A_543 = arith.index_cast %get3A_542 : i32 to index
        %get3A_544 = arith.index_cast %add3A_534 : i32 to index
        %get3A_545 = arith.constant 16 : index
        %get3A_546 = tpu.vector_load %arg6[%get3A_543, %get3A_544, %get3A_545] {strides = array<i32>} : memref<3x200x128xf32, #tpu.memory_space<vmem>>, vector<1x1x16xf32>,
        %get3A_547 = vector.shape_cast %get3A_546 : vector<1x1x16xf32> to vector<16xf32>
        %add3A_548 = arith.addf %add3A_495, %get3A_547 : vector<16xf32>
        %get3A_549 = arith.constant 2 : i32
        %get3A_550 = arith.index_cast %get3A_549 : i32 to index
        %get3A_551 = arith.index_cast %add3A_534 : i32 to index
        %get3A_552 = arith.constant 32 : index
        %get3A_553 = tpu.vector_load %arg6[%get3A_550, %get3A_551, %get3A_552] {strides = array<i32>} : memref<3x200x128xf32, #tpu.memory_space<vmem>>, vector<1x1x16xf32>,
        %get3A_554 = vector.shape_cast %get3A_553 : vector<1x1x16xf32> to vector<16xf32>
        %add3A_555 = arith.addf %add3A_502, %get3A_554 : vector<16xf32>
        %get3A_556 = arith.constant 2 : i32
        %get3A_557 = arith.index_cast %get3A_556 : i32 to index
        %get3A_558 = arith.index_cast %add3A_534 : i32 to index
        %get3A_559 = arith.constant 48 : index
        %get3A_560 = tpu.vector_load %arg6[%get3A_557, %get3A_558, %get3A_559] {strides = array<i32>} : memref<3x200x128xf32, #tpu.memory_space<vmem>>, vector<1x1x16xf32>,
        %get3A_561 = vector.shape_cast %get3A_560 : vector<1x1x16xf32> to vector<16xf32>
        %add3A_562 = arith.addf %add3A_509, %get3A_561 : vector<16xf32>
        %get3A_563 = arith.constant 2 : i32
        %get3A_564 = arith.index_cast %get3A_563 : i32 to index
        %get3A_565 = arith.index_cast %add3A_534 : i32 to index
        %get3A_566 = arith.constant 64 : index
        %get3A_567 = tpu.vector_load %arg6[%get3A_564, %get3A_565, %get3A_566] {strides = array<i32>} : memref<3x200x128xf32, #tpu.memory_space<vmem>>, vector<1x1x16xf32>,
        %get3A_568 = vector.shape_cast %get3A_567 : vector<1x1x16xf32> to vector<16xf32>
        %add3A_569 = arith.addf %add3A_516, %get3A_568 : vector<16xf32>
        %get3A_570 = arith.constant 2 : i32
        %get3A_571 = arith.index_cast %get3A_570 : i32 to index
        %get3A_572 = arith.index_cast %add3A_534 : i32 to index
        %get3A_573 = arith.constant 80 : index
        %get3A_574 = tpu.vector_load %arg6[%get3A_571, %get3A_572, %get3A_573] {strides = array<i32>} : memref<3x200x128xf32, #tpu.memory_space<vmem>>, vector<1x1x16xf32>,
        %get3A_575 = vector.shape_cast %get3A_574 : vector<1x1x16xf32> to vector<16xf32>
        %add3A_576 = arith.addf %add3A_523, %get3A_575 : vector<16xf32>
        %get3A_577 = arith.constant 2 : i32
        %get3A_578 = arith.index_cast %get3A_577 : i32 to index
        %get3A_579 = arith.index_cast %add3A_534 : i32 to index
        %get3A_580 = arith.constant 84 : index
        %get3A_581 = tpu.vector_load %arg6[%get3A_578, %get3A_579, %get3A_580] {strides = array<i32>} : memref<3x200x128xf32, #tpu.memory_space<vmem>>, vector<1x1x16xf32>,
        %get3A_582 = vector.shape_cast %get3A_581 : vector<1x1x16xf32> to vector<16xf32>
        %add3A_583 = arith.addf %add3A_530, %get3A_582 : vector<16xf32>
        %mul3A_584 = arith.constant 4 : i32
        %mul3A_585 = arith.muli %mul3A_584, %scan3A_471 : i32
        %add3A_586 = arith.constant 2 : i32
        %add3A_587 = arith.addi %mul3A_585, %add3A_586 : i32
        %get3A_588 = arith.constant 2 : i32
        %get3A_589 = arith.index_cast %get3A_588 : i32 to index
        %get3A_590 = arith.index_cast %add3A_587 : i32 to index
        %get3A_591 = arith.constant 0 : index
        %get3A_592 = tpu.vector_load %arg6[%get3A_589, %get3A_590, %get3A_591] {strides = array<i32>} : memref<3x200x128xf32, #tpu.memory_space<vmem>>, vector<1x1x16xf32>,
        %get3A_593 = vector.shape_cast %get3A_592 : vector<1x1x16xf32> to vector<16xf32>
        %add3A_594 = arith.addf %add3A_541, %get3A_593 : vector<16xf32>
        %get3A_595 = arith.constant 2 : i32
        %get3A_596 = arith.index_cast %get3A_595 : i32 to index
        %get3A_597 = arith.index_cast %add3A_587 : i32 to index
        %get3A_598 = arith.constant 16 : index
        %get3A_599 = tpu.vector_load %arg6[%get3A_596, %get3A_597, %get3A_598] {strides = array<i32>} : memref<3x200x128xf32, #tpu.memory_space<vmem>>, vector<1x1x16xf32>,
        %get3A_600 = vector.shape_cast %get3A_599 : vector<1x1x16xf32> to vector<16xf32>
        %add3A_601 = arith.addf %add3A_548, %get3A_600 : vector<16xf32>
        %get3A_602 = arith.constant 2 : i32
        %get3A_603 = arith.index_cast %get3A_602 : i32 to index
        %get3A_604 = arith.index_cast %add3A_587 : i32 to index
        %get3A_605 = arith.constant 32 : index
        %get3A_606 = tpu.vector_load %arg6[%get3A_603, %get3A_604, %get3A_605] {strides = array<i32>} : memref<3x200x128xf32, #tpu.memory_space<vmem>>, vector<1x1x16xf32>,
        %get3A_607 = vector.shape_cast %get3A_606 : vector<1x1x16xf32> to vector<16xf32>
        %add3A_608 = arith.addf %add3A_555, %get3A_607 : vector<16xf32>
        %get3A_609 = arith.constant 2 : i32
        %get3A_610 = arith.index_cast %get3A_609 : i32 to index
        %get3A_611 = arith.index_cast %add3A_587 : i32 to index
        %get3A_612 = arith.constant 48 : index
        %get3A_613 = tpu.vector_load %arg6[%get3A_610, %get3A_611, %get3A_612] {strides = array<i32>} : memref<3x200x128xf32, #tpu.memory_space<vmem>>, vector<1x1x16xf32>,
        %get3A_614 = vector.shape_cast %get3A_613 : vector<1x1x16xf32> to vector<16xf32>
        %add3A_615 = arith.addf %add3A_562, %get3A_614 : vector<16xf32>
        %get3A_616 = arith.constant 2 : i32
        %get3A_617 = arith.index_cast %get3A_616 : i32 to index
        %get3A_618 = arith.index_cast %add3A_587 : i32 to index
        %get3A_619 = arith.constant 64 : index
        %get3A_620 = tpu.vector_load %arg6[%get3A_617, %get3A_618, %get3A_619] {strides = array<i32>} : memref<3x200x128xf32, #tpu.memory_space<vmem>>, vector<1x1x16xf32>,
        %get3A_621 = vector.shape_cast %get3A_620 : vector<1x1x16xf32> to vector<16xf32>
        %add3A_622 = arith.addf %add3A_569, %get3A_621 : vector<16xf32>
        %get3A_623 = arith.constant 2 : i32
        %get3A_624 = arith.index_cast %get3A_623 : i32 to index
        %get3A_625 = arith.index_cast %add3A_587 : i32 to index
        %get3A_626 = arith.constant 80 : index
        %get3A_627 = tpu.vector_load %arg6[%get3A_624, %get3A_625, %get3A_626] {strides = array<i32>} : memref<3x200x128xf32, #tpu.memory_space<vmem>>, vector<1x1x16xf32>,
        %get3A_628 = vector.shape_cast %get3A_627 : vector<1x1x16xf32> to vector<16xf32>
        %add3A_629 = arith.addf %add3A_576, %get3A_628 : vector<16xf32>
        %get3A_630 = arith.constant 2 : i32
        %get3A_631 = arith.index_cast %get3A_630 : i32 to index
        %get3A_632 = arith.index_cast %add3A_587 : i32 to index
        %get3A_633 = arith.constant 84 : index
        %get3A_634 = tpu.vector_load %arg6[%get3A_631, %get3A_632, %get3A_633] {strides = array<i32>} : memref<3x200x128xf32, #tpu.memory_space<vmem>>, vector<1x1x16xf32>,
        %get3A_635 = vector.shape_cast %get3A_634 : vector<1x1x16xf32> to vector<16xf32>
        %add3A_636 = arith.addf %add3A_583, %get3A_635 : vector<16xf32>
        %mul3A_637 = arith.constant 4 : i32
        %mul3A_638 = arith.muli %mul3A_637, %scan3A_471 : i32
        %add3A_639 = arith.constant 3 : i32
        %add3A_640 = arith.addi %mul3A_638, %add3A_639 : i32
        %get3A_641 = arith.constant 2 : i32
        %get3A_642 = arith.index_cast %get3A_641 : i32 to index
        %get3A_643 = arith.index_cast %add3A_640 : i32 to index
        %get3A_644 = arith.constant 0 : index
        %get3A_645 = tpu.vector_load %arg6[%get3A_642, %get3A_643, %get3A_644] {strides = array<i32>} : memref<3x200x128xf32, #tpu.memory_space<vmem>>, vector<1x1x16xf32>,
        %get3A_646 = vector.shape_cast %get3A_645 : vector<1x1x16xf32> to vector<16xf32>
        %add3A_647 = arith.addf %add3A_594, %get3A_646 : vector<16xf32>
        %get3A_648 = arith.constant 2 : i32
        %get3A_649 = arith.index_cast %get3A_648 : i32 to index
        %get3A_650 = arith.index_cast %add3A_640 : i32 to index
        %get3A_651 = arith.constant 16 : index
        %get3A_652 = tpu.vector_load %arg6[%get3A_649, %get3A_650, %get3A_651] {strides = array<i32>} : memref<3x200x128xf32, #tpu.memory_space<vmem>>, vector<1x1x16xf32>,
        %get3A_653 = vector.shape_cast %get3A_652 : vector<1x1x16xf32> to vector<16xf32>
        %add3A_654 = arith.addf %add3A_601, %get3A_653 : vector<16xf32>
        %get3A_655 = arith.constant 2 : i32
        %get3A_656 = arith.index_cast %get3A_655 : i32 to index
        %get3A_657 = arith.index_cast %add3A_640 : i32 to index
        %get3A_658 = arith.constant 32 : index
        %get3A_659 = tpu.vector_load %arg6[%get3A_656, %get3A_657, %get3A_658] {strides = array<i32>} : memref<3x200x128xf32, #tpu.memory_space<vmem>>, vector<1x1x16xf32>,
        %get3A_660 = vector.shape_cast %get3A_659 : vector<1x1x16xf32> to vector<16xf32>
        %add3A_661 = arith.addf %add3A_608, %get3A_660 : vector<16xf32>
        %get3A_662 = arith.constant 2 : i32
        %get3A_663 = arith.index_cast %get3A_662 : i32 to index
        %get3A_664 = arith.index_cast %add3A_640 : i32 to index
        %get3A_665 = arith.constant 48 : index
        %get3A_666 = tpu.vector_load %arg6[%get3A_663, %get3A_664, %get3A_665] {strides = array<i32>} : memref<3x200x128xf32, #tpu.memory_space<vmem>>, vector<1x1x16xf32>,
        %get3A_667 = vector.shape_cast %get3A_666 : vector<1x1x16xf32> to vector<16xf32>
        %add3A_668 = arith.addf %add3A_615, %get3A_667 : vector<16xf32>
        %get3A_669 = arith.constant 2 : i32
        %get3A_670 = arith.index_cast %get3A_669 : i32 to index
        %get3A_671 = arith.index_cast %add3A_640 : i32 to index
        %get3A_672 = arith.constant 64 : index
        %get3A_673 = tpu.vector_load %arg6[%get3A_670, %get3A_671, %get3A_672] {strides = array<i32>} : memref<3x200x128xf32, #tpu.memory_space<vmem>>, vector<1x1x16xf32>,
        %get3A_674 = vector.shape_cast %get3A_673 : vector<1x1x16xf32> to vector<16xf32>
        %add3A_675 = arith.addf %add3A_622, %get3A_674 : vector<16xf32>
        %get3A_676 = arith.constant 2 : i32
        %get3A_677 = arith.index_cast %get3A_676 : i32 to index
        %get3A_678 = arith.index_cast %add3A_640 : i32 to index
        %get3A_679 = arith.constant 80 : index
        %get3A_680 = tpu.vector_load %arg6[%get3A_677, %get3A_678, %get3A_679] {strides = array<i32>} : memref<3x200x128xf32, #tpu.memory_space<vmem>>, vector<1x1x16xf32>,
        %get3A_681 = vector.shape_cast %get3A_680 : vector<1x1x16xf32> to vector<16xf32>
        %add3A_682 = arith.addf %add3A_629, %get3A_681 : vector<16xf32>
        %get3A_683 = arith.constant 2 : i32
        %get3A_684 = arith.index_cast %get3A_683 : i32 to index
        %get3A_685 = arith.index_cast %add3A_640 : i32 to index
        %get3A_686 = arith.constant 84 : index
        %get3A_687 = tpu.vector_load %arg6[%get3A_684, %get3A_685, %get3A_686] {strides = array<i32>} : memref<3x200x128xf32, #tpu.memory_space<vmem>>, vector<1x1x16xf32>,
        %get3A_688 = vector.shape_cast %get3A_687 : vector<1x1x16xf32> to vector<16xf32>
        %add3A_689 = arith.addf %add3A_636, %get3A_688 : vector<16xf32>
        scf.yield %add3A_647, %add3A_654, %add3A_661, %add3A_668, %add3A_675, %add3A_682, %add3A_689 : vector<16xf32>, vector<16xf32>, vector<16xf32>, vector<16xf32>, vector<16xf32>, vector<16xf32>, vector<16xf32>
      }
      %scan3A_434 = arith.constant 50 : i32
      %swap3A_435 = arith.index_cast %add3A_428 : i32 to index
      %swap3A_436 = arith.constant 0 : index
      %swap3A_437 = tpu.vector_load %arg7[%swap3A_435, %swap3A_436] {strides = array<i32>} : memref<128x128xf32, #tpu.memory_space<vmem>>, vector<1x16xf32>,
      %swap3A_438 = vector.shape_cast %swap3A_437 : vector<1x16xf32> to vector<16xf32>
      %swap3A_439 = vector.shape_cast %scan3A_433#0 : vector<16xf32> to vector<1x16xf32>
      tpu.vector_store %arg7[%swap3A_435, %swap3A_436], %swap3A_439 {strides = array<i32>} : memref<128x128xf32, #tpu.memory_space<vmem>>, vector<1x16xf32>,
      %swap3A_440 = arith.index_cast %add3A_428 : i32 to index
      %swap3A_441 = arith.constant 16 : index
      %swap3A_442 = tpu.vector_load %arg7[%swap3A_440, %swap3A_441] {strides = array<i32>} : memref<128x128xf32, #tpu.memory_space<vmem>>, vector<1x16xf32>,
      %swap3A_443 = vector.shape_cast %swap3A_442 : vector<1x16xf32> to vector<16xf32>
      %swap3A_444 = vector.shape_cast %scan3A_433#1 : vector<16xf32> to vector<1x16xf32>
      tpu.vector_store %arg7[%swap3A_440, %swap3A_441], %swap3A_444 {strides = array<i32>} : memref<128x128xf32, #tpu.memory_space<vmem>>, vector<1x16xf32>,
      %swap3A_445 = arith.index_cast %add3A_428 : i32 to index
      %swap3A_446 = arith.constant 32 : index
      %swap3A_447 = tpu.vector_load %arg7[%swap3A_445, %swap3A_446] {strides = array<i32>} : memref<128x128xf32, #tpu.memory_space<vmem>>, vector<1x16xf32>,
      %swap3A_448 = vector.shape_cast %swap3A_447 : vector<1x16xf32> to vector<16xf32>
      %swap3A_449 = vector.shape_cast %scan3A_433#2 : vector<16xf32> to vector<1x16xf32>
      tpu.vector_store %arg7[%swap3A_445, %swap3A_446], %swap3A_449 {strides = array<i32>} : memref<128x128xf32, #tpu.memory_space<vmem>>, vector<1x16xf32>,
      %swap3A_450 = arith.index_cast %add3A_428 : i32 to index
      %swap3A_451 = arith.constant 48 : index
      %swap3A_452 = tpu.vector_load %arg7[%swap3A_450, %swap3A_451] {strides = array<i32>} : memref<128x128xf32, #tpu.memory_space<vmem>>, vector<1x16xf32>,
      %swap3A_453 = vector.shape_cast %swap3A_452 : vector<1x16xf32> to vector<16xf32>
      %swap3A_454 = vector.shape_cast %scan3A_433#3 : vector<16xf32> to vector<1x16xf32>
      tpu.vector_store %arg7[%swap3A_450, %swap3A_451], %swap3A_454 {strides = array<i32>} : memref<128x128xf32, #tpu.memory_space<vmem>>, vector<1x16xf32>,
      %swap3A_455 = arith.index_cast %add3A_428 : i32 to index
      %swap3A_456 = arith.constant 64 : index
      %swap3A_457 = tpu.vector_load %arg7[%swap3A_455, %swap3A_456] {strides = array<i32>} : memref<128x128xf32, #tpu.memory_space<vmem>>, vector<1x16xf32>,
      %swap3A_458 = vector.shape_cast %swap3A_457 : vector<1x16xf32> to vector<16xf32>
      %swap3A_459 = vector.shape_cast %scan3A_433#4 : vector<16xf32> to vector<1x16xf32>
      tpu.vector_store %arg7[%swap3A_455, %swap3A_456], %swap3A_459 {strides = array<i32>} : memref<128x128xf32, #tpu.memory_space<vmem>>, vector<1x16xf32>,
      %swap3A_460 = arith.index_cast %add3A_428 : i32 to index
      %swap3A_461 = arith.constant 80 : index
      %swap3A_462 = tpu.vector_load %arg7[%swap3A_460, %swap3A_461] {strides = array<i32>} : memref<128x128xf32, #tpu.memory_space<vmem>>, vector<1x16xf32>,
      %swap3A_463 = vector.shape_cast %swap3A_462 : vector<1x16xf32> to vector<16xf32>
      %swap3A_464 = vector.shape_cast %scan3A_433#5 : vector<16xf32> to vector<1x16xf32>
      tpu.vector_store %arg7[%swap3A_460, %swap3A_461], %swap3A_464 {strides = array<i32>} : memref<128x128xf32, #tpu.memory_space<vmem>>, vector<1x16xf32>,
      %swap3A_465 = arith.index_cast %add3A_428 : i32 to index
      %swap3A_466 = arith.constant 84 : index
      %swap3A_467 = tpu.vector_load %arg7[%swap3A_465, %swap3A_466] {strides = array<i32>} : memref<128x128xf32, #tpu.memory_space<vmem>>, vector<1x16xf32>,
      %swap3A_468 = vector.shape_cast %swap3A_467 : vector<1x16xf32> to vector<16xf32>
      %swap3A_469 = vector.shape_cast %scan3A_433#6 : vector<16xf32> to vector<1x16xf32>
      tpu.vector_store %arg7[%swap3A_465, %swap3A_466], %swap3A_469 {strides = array<i32>} : memref<128x128xf32, #tpu.memory_space<vmem>>, vector<1x16xf32>,
      %scan3A_470 = arith.constant 0 : i32
      scf.yield %scan3A_470 : i32
    }
    %scan3A_65 = arith.constant 42 : i32
    %dma_wait3A = arith.constant 252 : i32
    %dma_wait3A_66 = arith.constant 0 : i32
    %dma_wait3A_67 = arith.constant 0 : i32
    %dma_wait3A_68 = arith.constant 0 : i32
    %dma_wait3A_69 = tpu.memref_slice %arg6[%dma_wait3A_66, %dma_wait3A_67, %dma_wait3A_68] : memref<3x200x128xf32, #tpu.memory_space<vmem>> -> memref<1x100x128xf32, #tpu.memory_space<vmem>>
    %dma_wait3A_70 = tpu.memref_squeeze %dma_wait3A_69 : memref<1x100x128xf32, #tpu.memory_space<vmem>> -> memref<100x128xf32, #tpu.memory_space<vmem>>
    %dma_wait3A_71 = arith.constant 0 : i32
    %dma_wait3A_72 = tpu.memref_slice %arg5[%dma_wait3A, %dma_wait3A_71] : memref<256x100xi32, #tpu.memory_space<vmem>> -> memref<1x100xi32, #tpu.memory_space<vmem>>
    %dma_wait3A_73 = tpu.memref_squeeze %dma_wait3A_72 : memref<1x100xi32, #tpu.memory_space<vmem>> -> memref<100xi32, #tpu.memory_space<vmem>>
    %dma_wait3A_74 = arith.constant 0 : i32
    %dma_wait3A_75 = arith.constant 0 : i32
    %dma_wait3A_76 = tpu.memref_slice %arg3[%dma_wait3A_74, %dma_wait3A_75] : memref<100000x128xf32, #tpu.memory_space<hbm>> -> memref<100000x128xf32, #tpu.memory_space<hbm>>
    tpu.wait_indirect_dma semaphore(%arg8 : memref<!tpu.dma_semaphore, #tpu.memory_space<semaphore_mem>>) src(%dma_wait3A_76 : memref<100000x128xf32, #tpu.memory_space<hbm>>) dst(%dma_wait3A_70 : memref<100x128xf32, #tpu.memory_space<vmem>>)
    %dma_wait3A_77 = arith.constant 253 : i32
    %dma_wait3A_78 = arith.constant 0 : i32
    %dma_wait3A_79 = arith.constant 100 : i32
    %dma_wait3A_80 = arith.constant 0 : i32
    %dma_wait3A_81 = tpu.memref_slice %arg6[%dma_wait3A_78, %dma_wait3A_79, %dma_wait3A_80] : memref<3x200x128xf32, #tpu.memory_space<vmem>> -> memref<1x100x128xf32, #tpu.memory_space<vmem>>
    %dma_wait3A_82 = tpu.memref_squeeze %dma_wait3A_81 : memref<1x100x128xf32, #tpu.memory_space<vmem>> -> memref<100x128xf32, #tpu.memory_space<vmem>>
    %dma_wait3A_83 = arith.constant 0 : i32
    %dma_wait3A_84 = tpu.memref_slice %arg5[%dma_wait3A_77, %dma_wait3A_83] : memref<256x100xi32, #tpu.memory_space<vmem>> -> memref<1x100xi32, #tpu.memory_space<vmem>>
    %dma_wait3A_85 = tpu.memref_squeeze %dma_wait3A_84 : memref<1x100xi32, #tpu.memory_space<vmem>> -> memref<100xi32, #tpu.memory_space<vmem>>
    %dma_wait3A_86 = arith.constant 0 : i32
    %dma_wait3A_87 = arith.constant 0 : i32
    %dma_wait3A_88 = tpu.memref_slice %arg3[%dma_wait3A_86, %dma_wait3A_87] : memref<100000x128xf32, #tpu.memory_space<hbm>> -> memref<100000x128xf32, #tpu.memory_space<hbm>>
    tpu.wait_indirect_dma semaphore(%arg8 : memref<!tpu.dma_semaphore, #tpu.memory_space<semaphore_mem>>) src(%dma_wait3A_88 : memref<100000x128xf32, #tpu.memory_space<hbm>>) dst(%dma_wait3A_82 : memref<100x128xf32, #tpu.memory_space<vmem>>)
    %scan3A_89 = arith.constant 0 : i32
    %scan3A_90 = arith.constant 50 : i32
    %scan3A_91 = arith.addi %scan3A_89, %scan3A_90 : i32
    %scan3A_92 = arith.constant 1 : i32
    %scan3A_93:7 = scf.for %scan3A_210 = %scan3A_89 to %scan3A_91 step %scan3A_92 iter_args(%scan3A_211 = %broadcast_in_dim3A_5, %scan3A_212 = %broadcast_in_dim3A_5, %scan3A_213 = %broadcast_in_dim3A_5, %scan3A_214 = %broadcast_in_dim3A_5, %scan3A_215 = %broadcast_in_dim3A_5, %scan3A_216 = %broadcast_in_dim3A_5, %scan3A_217 = %broadcast_in_dim3A_5) -> (vector<16xf32>, vector<16xf32>, vector<16xf32>, vector<16xf32>, vector<16xf32>, vector<16xf32>, vector<16xf32>)  : i32 {
      %mul3A_218 = arith.constant 4 : i32
      %mul3A_219 = arith.muli %mul3A_218, %scan3A_210 : i32
      %add3A_220 = arith.constant 0 : i32
      %add3A_221 = arith.addi %mul3A_219, %add3A_220 : i32
      %get3A = arith.constant 0 : i32
      %get3A_222 = arith.index_cast %get3A : i32 to index
      %get3A_223 = arith.index_cast %add3A_221 : i32 to index
      %get3A_224 = arith.constant 0 : index
      %get3A_225 = tpu.vector_load %arg6[%get3A_222, %get3A_223, %get3A_224] {strides = array<i32>} : memref<3x200x128xf32, #tpu.memory_space<vmem>>, vector<1x1x16xf32>,
      %get3A_226 = vector.shape_cast %get3A_225 : vector<1x1x16xf32> to vector<16xf32>
      %add3A_227 = arith.addf %scan3A_211, %get3A_226 : vector<16xf32>
      %get3A_228 = arith.constant 0 : i32
      %get3A_229 = arith.index_cast %get3A_228 : i32 to index
      %get3A_230 = arith.index_cast %add3A_221 : i32 to index
      %get3A_231 = arith.constant 16 : index
      %get3A_232 = tpu.vector_load %arg6[%get3A_229, %get3A_230, %get3A_231] {strides = array<i32>} : memref<3x200x128xf32, #tpu.memory_space<vmem>>, vector<1x1x16xf32>,
      %get3A_233 = vector.shape_cast %get3A_232 : vector<1x1x16xf32> to vector<16xf32>
      %add3A_234 = arith.addf %scan3A_212, %get3A_233 : vector<16xf32>
      %get3A_235 = arith.constant 0 : i32
      %get3A_236 = arith.index_cast %get3A_235 : i32 to index
      %get3A_237 = arith.index_cast %add3A_221 : i32 to index
      %get3A_238 = arith.constant 32 : index
      %get3A_239 = tpu.vector_load %arg6[%get3A_236, %get3A_237, %get3A_238] {strides = array<i32>} : memref<3x200x128xf32, #tpu.memory_space<vmem>>, vector<1x1x16xf32>,
      %get3A_240 = vector.shape_cast %get3A_239 : vector<1x1x16xf32> to vector<16xf32>
      %add3A_241 = arith.addf %scan3A_213, %get3A_240 : vector<16xf32>
      %get3A_242 = arith.constant 0 : i32
      %get3A_243 = arith.index_cast %get3A_242 : i32 to index
      %get3A_244 = arith.index_cast %add3A_221 : i32 to index
      %get3A_245 = arith.constant 48 : index
      %get3A_246 = tpu.vector_load %arg6[%get3A_243, %get3A_244, %get3A_245] {strides = array<i32>} : memref<3x200x128xf32, #tpu.memory_space<vmem>>, vector<1x1x16xf32>,
      %get3A_247 = vector.shape_cast %get3A_246 : vector<1x1x16xf32> to vector<16xf32>
      %add3A_248 = arith.addf %scan3A_214, %get3A_247 : vector<16xf32>
      %get3A_249 = arith.constant 0 : i32
      %get3A_250 = arith.index_cast %get3A_249 : i32 to index
      %get3A_251 = arith.index_cast %add3A_221 : i32 to index
      %get3A_252 = arith.constant 64 : index
      %get3A_253 = tpu.vector_load %arg6[%get3A_250, %get3A_251, %get3A_252] {strides = array<i32>} : memref<3x200x128xf32, #tpu.memory_space<vmem>>, vector<1x1x16xf32>,
      %get3A_254 = vector.shape_cast %get3A_253 : vector<1x1x16xf32> to vector<16xf32>
      %add3A_255 = arith.addf %scan3A_215, %get3A_254 : vector<16xf32>
      %get3A_256 = arith.constant 0 : i32
      %get3A_257 = arith.index_cast %get3A_256 : i32 to index
      %get3A_258 = arith.index_cast %add3A_221 : i32 to index
      %get3A_259 = arith.constant 80 : index
      %get3A_260 = tpu.vector_load %arg6[%get3A_257, %get3A_258, %get3A_259] {strides = array<i32>} : memref<3x200x128xf32, #tpu.memory_space<vmem>>, vector<1x1x16xf32>,
      %get3A_261 = vector.shape_cast %get3A_260 : vector<1x1x16xf32> to vector<16xf32>
      %add3A_262 = arith.addf %scan3A_216, %get3A_261 : vector<16xf32>
      %get3A_263 = arith.constant 0 : i32
      %get3A_264 = arith.index_cast %get3A_263 : i32 to index
      %get3A_265 = arith.index_cast %add3A_221 : i32 to index
      %get3A_266 = arith.constant 84 : index
      %get3A_267 = tpu.vector_load %arg6[%get3A_264, %get3A_265, %get3A_266] {strides = array<i32>} : memref<3x200x128xf32, #tpu.memory_space<vmem>>, vector<1x1x16xf32>,
      %get3A_268 = vector.shape_cast %get3A_267 : vector<1x1x16xf32> to vector<16xf32>
      %add3A_269 = arith.addf %scan3A_217, %get3A_268 : vector<16xf32>
      %mul3A_270 = arith.constant 4 : i32
      %mul3A_271 = arith.muli %mul3A_270, %scan3A_210 : i32
      %add3A_272 = arith.constant 1 : i32
      %add3A_273 = arith.addi %mul3A_271, %add3A_272 : i32
      %get3A_274 = arith.constant 0 : i32
      %get3A_275 = arith.index_cast %get3A_274 : i32 to index
      %get3A_276 = arith.index_cast %add3A_273 : i32 to index
      %get3A_277 = arith.constant 0 : index
      %get3A_278 = tpu.vector_load %arg6[%get3A_275, %get3A_276, %get3A_277] {strides = array<i32>} : memref<3x200x128xf32, #tpu.memory_space<vmem>>, vector<1x1x16xf32>,
      %get3A_279 = vector.shape_cast %get3A_278 : vector<1x1x16xf32> to vector<16xf32>
      %add3A_280 = arith.addf %add3A_227, %get3A_279 : vector<16xf32>
      %get3A_281 = arith.constant 0 : i32
      %get3A_282 = arith.index_cast %get3A_281 : i32 to index
      %get3A_283 = arith.index_cast %add3A_273 : i32 to index
      %get3A_284 = arith.constant 16 : index
      %get3A_285 = tpu.vector_load %arg6[%get3A_282, %get3A_283, %get3A_284] {strides = array<i32>} : memref<3x200x128xf32, #tpu.memory_space<vmem>>, vector<1x1x16xf32>,
      %get3A_286 = vector.shape_cast %get3A_285 : vector<1x1x16xf32> to vector<16xf32>
      %add3A_287 = arith.addf %add3A_234, %get3A_286 : vector<16xf32>
      %get3A_288 = arith.constant 0 : i32
      %get3A_289 = arith.index_cast %get3A_288 : i32 to index
      %get3A_290 = arith.index_cast %add3A_273 : i32 to index
      %get3A_291 = arith.constant 32 : index
      %get3A_292 = tpu.vector_load %arg6[%get3A_289, %get3A_290, %get3A_291] {strides = array<i32>} : memref<3x200x128xf32, #tpu.memory_space<vmem>>, vector<1x1x16xf32>,
      %get3A_293 = vector.shape_cast %get3A_292 : vector<1x1x16xf32> to vector<16xf32>
      %add3A_294 = arith.addf %add3A_241, %get3A_293 : vector<16xf32>
      %get3A_295 = arith.constant 0 : i32
      %get3A_296 = arith.index_cast %get3A_295 : i32 to index
      %get3A_297 = arith.index_cast %add3A_273 : i32 to index
      %get3A_298 = arith.constant 48 : index
      %get3A_299 = tpu.vector_load %arg6[%get3A_296, %get3A_297, %get3A_298] {strides = array<i32>} : memref<3x200x128xf32, #tpu.memory_space<vmem>>, vector<1x1x16xf32>,
      %get3A_300 = vector.shape_cast %get3A_299 : vector<1x1x16xf32> to vector<16xf32>
      %add3A_301 = arith.addf %add3A_248, %get3A_300 : vector<16xf32>
      %get3A_302 = arith.constant 0 : i32
      %get3A_303 = arith.index_cast %get3A_302 : i32 to index
      %get3A_304 = arith.index_cast %add3A_273 : i32 to index
      %get3A_305 = arith.constant 64 : index
      %get3A_306 = tpu.vector_load %arg6[%get3A_303, %get3A_304, %get3A_305] {strides = array<i32>} : memref<3x200x128xf32, #tpu.memory_space<vmem>>, vector<1x1x16xf32>,
      %get3A_307 = vector.shape_cast %get3A_306 : vector<1x1x16xf32> to vector<16xf32>
      %add3A_308 = arith.addf %add3A_255, %get3A_307 : vector<16xf32>
      %get3A_309 = arith.constant 0 : i32
      %get3A_310 = arith.index_cast %get3A_309 : i32 to index
      %get3A_311 = arith.index_cast %add3A_273 : i32 to index
      %get3A_312 = arith.constant 80 : index
      %get3A_313 = tpu.vector_load %arg6[%get3A_310, %get3A_311, %get3A_312] {strides = array<i32>} : memref<3x200x128xf32, #tpu.memory_space<vmem>>, vector<1x1x16xf32>,
      %get3A_314 = vector.shape_cast %get3A_313 : vector<1x1x16xf32> to vector<16xf32>
      %add3A_315 = arith.addf %add3A_262, %get3A_314 : vector<16xf32>
      %get3A_316 = arith.constant 0 : i32
      %get3A_317 = arith.index_cast %get3A_316 : i32 to index
      %get3A_318 = arith.index_cast %add3A_273 : i32 to index
      %get3A_319 = arith.constant 84 : index
      %get3A_320 = tpu.vector_load %arg6[%get3A_317, %get3A_318, %get3A_319] {strides = array<i32>} : memref<3x200x128xf32, #tpu.memory_space<vmem>>, vector<1x1x16xf32>,
      %get3A_321 = vector.shape_cast %get3A_320 : vector<1x1x16xf32> to vector<16xf32>
      %add3A_322 = arith.addf %add3A_269, %get3A_321 : vector<16xf32>
      %mul3A_323 = arith.constant 4 : i32
      %mul3A_324 = arith.muli %mul3A_323, %scan3A_210 : i32
      %add3A_325 = arith.constant 2 : i32
      %add3A_326 = arith.addi %mul3A_324, %add3A_325 : i32
      %get3A_327 = arith.constant 0 : i32
      %get3A_328 = arith.index_cast %get3A_327 : i32 to index
      %get3A_329 = arith.index_cast %add3A_326 : i32 to index
      %get3A_330 = arith.constant 0 : index
      %get3A_331 = tpu.vector_load %arg6[%get3A_328, %get3A_329, %get3A_330] {strides = array<i32>} : memref<3x200x128xf32, #tpu.memory_space<vmem>>, vector<1x1x16xf32>,
      %get3A_332 = vector.shape_cast %get3A_331 : vector<1x1x16xf32> to vector<16xf32>
      %add3A_333 = arith.addf %add3A_280, %get3A_332 : vector<16xf32>
      %get3A_334 = arith.constant 0 : i32
      %get3A_335 = arith.index_cast %get3A_334 : i32 to index
      %get3A_336 = arith.index_cast %add3A_326 : i32 to index
      %get3A_337 = arith.constant 16 : index
      %get3A_338 = tpu.vector_load %arg6[%get3A_335, %get3A_336, %get3A_337] {strides = array<i32>} : memref<3x200x128xf32, #tpu.memory_space<vmem>>, vector<1x1x16xf32>,
      %get3A_339 = vector.shape_cast %get3A_338 : vector<1x1x16xf32> to vector<16xf32>
      %add3A_340 = arith.addf %add3A_287, %get3A_339 : vector<16xf32>
      %get3A_341 = arith.constant 0 : i32
      %get3A_342 = arith.index_cast %get3A_341 : i32 to index
      %get3A_343 = arith.index_cast %add3A_326 : i32 to index
      %get3A_344 = arith.constant 32 : index
      %get3A_345 = tpu.vector_load %arg6[%get3A_342, %get3A_343, %get3A_344] {strides = array<i32>} : memref<3x200x128xf32, #tpu.memory_space<vmem>>, vector<1x1x16xf32>,
      %get3A_346 = vector.shape_cast %get3A_345 : vector<1x1x16xf32> to vector<16xf32>
      %add3A_347 = arith.addf %add3A_294, %get3A_346 : vector<16xf32>
      %get3A_348 = arith.constant 0 : i32
      %get3A_349 = arith.index_cast %get3A_348 : i32 to index
      %get3A_350 = arith.index_cast %add3A_326 : i32 to index
      %get3A_351 = arith.constant 48 : index
      %get3A_352 = tpu.vector_load %arg6[%get3A_349, %get3A_350, %get3A_351] {strides = array<i32>} : memref<3x200x128xf32, #tpu.memory_space<vmem>>, vector<1x1x16xf32>,
      %get3A_353 = vector.shape_cast %get3A_352 : vector<1x1x16xf32> to vector<16xf32>
      %add3A_354 = arith.addf %add3A_301, %get3A_353 : vector<16xf32>
      %get3A_355 = arith.constant 0 : i32
      %get3A_356 = arith.index_cast %get3A_355 : i32 to index
      %get3A_357 = arith.index_cast %add3A_326 : i32 to index
      %get3A_358 = arith.constant 64 : index
      %get3A_359 = tpu.vector_load %arg6[%get3A_356, %get3A_357, %get3A_358] {strides = array<i32>} : memref<3x200x128xf32, #tpu.memory_space<vmem>>, vector<1x1x16xf32>,
      %get3A_360 = vector.shape_cast %get3A_359 : vector<1x1x16xf32> to vector<16xf32>
      %add3A_361 = arith.addf %add3A_308, %get3A_360 : vector<16xf32>
      %get3A_362 = arith.constant 0 : i32
      %get3A_363 = arith.index_cast %get3A_362 : i32 to index
      %get3A_364 = arith.index_cast %add3A_326 : i32 to index
      %get3A_365 = arith.constant 80 : index
      %get3A_366 = tpu.vector_load %arg6[%get3A_363, %get3A_364, %get3A_365] {strides = array<i32>} : memref<3x200x128xf32, #tpu.memory_space<vmem>>, vector<1x1x16xf32>,
      %get3A_367 = vector.shape_cast %get3A_366 : vector<1x1x16xf32> to vector<16xf32>
      %add3A_368 = arith.addf %add3A_315, %get3A_367 : vector<16xf32>
      %get3A_369 = arith.constant 0 : i32
      %get3A_370 = arith.index_cast %get3A_369 : i32 to index
      %get3A_371 = arith.index_cast %add3A_326 : i32 to index
      %get3A_372 = arith.constant 84 : index
      %get3A_373 = tpu.vector_load %arg6[%get3A_370, %get3A_371, %get3A_372] {strides = array<i32>} : memref<3x200x128xf32, #tpu.memory_space<vmem>>, vector<1x1x16xf32>,
      %get3A_374 = vector.shape_cast %get3A_373 : vector<1x1x16xf32> to vector<16xf32>
      %add3A_375 = arith.addf %add3A_322, %get3A_374 : vector<16xf32>
      %mul3A_376 = arith.constant 4 : i32
      %mul3A_377 = arith.muli %mul3A_376, %scan3A_210 : i32
      %add3A_378 = arith.constant 3 : i32
      %add3A_379 = arith.addi %mul3A_377, %add3A_378 : i32
      %get3A_380 = arith.constant 0 : i32
      %get3A_381 = arith.index_cast %get3A_380 : i32 to index
      %get3A_382 = arith.index_cast %add3A_379 : i32 to index
      %get3A_383 = arith.constant 0 : index
      %get3A_384 = tpu.vector_load %arg6[%get3A_381, %get3A_382, %get3A_383] {strides = array<i32>} : memref<3x200x128xf32, #tpu.memory_space<vmem>>, vector<1x1x16xf32>,
      %get3A_385 = vector.shape_cast %get3A_384 : vector<1x1x16xf32> to vector<16xf32>
      %add3A_386 = arith.addf %add3A_333, %get3A_385 : vector<16xf32>
      %get3A_387 = arith.constant 0 : i32
      %get3A_388 = arith.index_cast %get3A_387 : i32 to index
      %get3A_389 = arith.index_cast %add3A_379 : i32 to index
      %get3A_390 = arith.constant 16 : index
      %get3A_391 = tpu.vector_load %arg6[%get3A_388, %get3A_389, %get3A_390] {strides = array<i32>} : memref<3x200x128xf32, #tpu.memory_space<vmem>>, vector<1x1x16xf32>,
      %get3A_392 = vector.shape_cast %get3A_391 : vector<1x1x16xf32> to vector<16xf32>
      %add3A_393 = arith.addf %add3A_340, %get3A_392 : vector<16xf32>
      %get3A_394 = arith.constant 0 : i32
      %get3A_395 = arith.index_cast %get3A_394 : i32 to index
      %get3A_396 = arith.index_cast %add3A_379 : i32 to index
      %get3A_397 = arith.constant 32 : index
      %get3A_398 = tpu.vector_load %arg6[%get3A_395, %get3A_396, %get3A_397] {strides = array<i32>} : memref<3x200x128xf32, #tpu.memory_space<vmem>>, vector<1x1x16xf32>,
      %get3A_399 = vector.shape_cast %get3A_398 : vector<1x1x16xf32> to vector<16xf32>
      %add3A_400 = arith.addf %add3A_347, %get3A_399 : vector<16xf32>
      %get3A_401 = arith.constant 0 : i32
      %get3A_402 = arith.index_cast %get3A_401 : i32 to index
      %get3A_403 = arith.index_cast %add3A_379 : i32 to index
      %get3A_404 = arith.constant 48 : index
      %get3A_405 = tpu.vector_load %arg6[%get3A_402, %get3A_403, %get3A_404] {strides = array<i32>} : memref<3x200x128xf32, #tpu.memory_space<vmem>>, vector<1x1x16xf32>,
      %get3A_406 = vector.shape_cast %get3A_405 : vector<1x1x16xf32> to vector<16xf32>
      %add3A_407 = arith.addf %add3A_354, %get3A_406 : vector<16xf32>
      %get3A_408 = arith.constant 0 : i32
      %get3A_409 = arith.index_cast %get3A_408 : i32 to index
      %get3A_410 = arith.index_cast %add3A_379 : i32 to index
      %get3A_411 = arith.constant 64 : index
      %get3A_412 = tpu.vector_load %arg6[%get3A_409, %get3A_410, %get3A_411] {strides = array<i32>} : memref<3x200x128xf32, #tpu.memory_space<vmem>>, vector<1x1x16xf32>,
      %get3A_413 = vector.shape_cast %get3A_412 : vector<1x1x16xf32> to vector<16xf32>
      %add3A_414 = arith.addf %add3A_361, %get3A_413 : vector<16xf32>
      %get3A_415 = arith.constant 0 : i32
      %get3A_416 = arith.index_cast %get3A_415 : i32 to index
      %get3A_417 = arith.index_cast %add3A_379 : i32 to index
      %get3A_418 = arith.constant 80 : index
      %get3A_419 = tpu.vector_load %arg6[%get3A_416, %get3A_417, %get3A_418] {strides = array<i32>} : memref<3x200x128xf32, #tpu.memory_space<vmem>>, vector<1x1x16xf32>,
      %get3A_420 = vector.shape_cast %get3A_419 : vector<1x1x16xf32> to vector<16xf32>
      %add3A_421 = arith.addf %add3A_368, %get3A_420 : vector<16xf32>
      %get3A_422 = arith.constant 0 : i32
      %get3A_423 = arith.index_cast %get3A_422 : i32 to index
      %get3A_424 = arith.index_cast %add3A_379 : i32 to index
      %get3A_425 = arith.constant 84 : index
      %get3A_426 = tpu.vector_load %arg6[%get3A_423, %get3A_424, %get3A_425] {strides = array<i32>} : memref<3x200x128xf32, #tpu.memory_space<vmem>>, vector<1x1x16xf32>,
      %get3A_427 = vector.shape_cast %get3A_426 : vector<1x1x16xf32> to vector<16xf32>
      %add3A_428 = arith.addf %add3A_375, %get3A_427 : vector<16xf32>
      scf.yield %add3A_386, %add3A_393, %add3A_400, %add3A_407, %add3A_414, %add3A_421, %add3A_428 : vector<16xf32>, vector<16xf32>, vector<16xf32>, vector<16xf32>, vector<16xf32>, vector<16xf32>, vector<16xf32>
    }
    %scan3A_94 = arith.constant 50 : i32
    %swap3A = arith.constant 126 : i32
    %swap3A_95 = arith.index_cast %swap3A : i32 to index
    %swap3A_96 = arith.constant 0 : index
    %swap3A_97 = tpu.vector_load %arg7[%swap3A_95, %swap3A_96] {strides = array<i32>} : memref<128x128xf32, #tpu.memory_space<vmem>>, vector<1x16xf32>,
    %swap3A_98 = vector.shape_cast %swap3A_97 : vector<1x16xf32> to vector<16xf32>
    %swap3A_99 = vector.shape_cast %scan3A_93#0 : vector<16xf32> to vector<1x16xf32>
    tpu.vector_store %arg7[%swap3A_95, %swap3A_96], %swap3A_99 {strides = array<i32>} : memref<128x128xf32, #tpu.memory_space<vmem>>, vector<1x16xf32>,
    %swap3A_100 = arith.constant 126 : i32
    %swap3A_101 = arith.index_cast %swap3A_100 : i32 to index
    %swap3A_102 = arith.constant 16 : index
    %swap3A_103 = tpu.vector_load %arg7[%swap3A_101, %swap3A_102] {strides = array<i32>} : memref<128x128xf32, #tpu.memory_space<vmem>>, vector<1x16xf32>,
    %swap3A_104 = vector.shape_cast %swap3A_103 : vector<1x16xf32> to vector<16xf32>
    %swap3A_105 = vector.shape_cast %scan3A_93#1 : vector<16xf32> to vector<1x16xf32>
    tpu.vector_store %arg7[%swap3A_101, %swap3A_102], %swap3A_105 {strides = array<i32>} : memref<128x128xf32, #tpu.memory_space<vmem>>, vector<1x16xf32>,
    %swap3A_106 = arith.constant 126 : i32
    %swap3A_107 = arith.index_cast %swap3A_106 : i32 to index
    %swap3A_108 = arith.constant 32 : index
    %swap3A_109 = tpu.vector_load %arg7[%swap3A_107, %swap3A_108] {strides = array<i32>} : memref<128x128xf32, #tpu.memory_space<vmem>>, vector<1x16xf32>,
    %swap3A_110 = vector.shape_cast %swap3A_109 : vector<1x16xf32> to vector<16xf32>
    %swap3A_111 = vector.shape_cast %scan3A_93#2 : vector<16xf32> to vector<1x16xf32>
    tpu.vector_store %arg7[%swap3A_107, %swap3A_108], %swap3A_111 {strides = array<i32>} : memref<128x128xf32, #tpu.memory_space<vmem>>, vector<1x16xf32>,
    %swap3A_112 = arith.constant 126 : i32
    %swap3A_113 = arith.index_cast %swap3A_112 : i32 to index
    %swap3A_114 = arith.constant 48 : index
    %swap3A_115 = tpu.vector_load %arg7[%swap3A_113, %swap3A_114] {strides = array<i32>} : memref<128x128xf32, #tpu.memory_space<vmem>>, vector<1x16xf32>,
    %swap3A_116 = vector.shape_cast %swap3A_115 : vector<1x16xf32> to vector<16xf32>
    %swap3A_117 = vector.shape_cast %scan3A_93#3 : vector<16xf32> to vector<1x16xf32>
    tpu.vector_store %arg7[%swap3A_113, %swap3A_114], %swap3A_117 {strides = array<i32>} : memref<128x128xf32, #tpu.memory_space<vmem>>, vector<1x16xf32>,
    %swap3A_118 = arith.constant 126 : i32
    %swap3A_119 = arith.index_cast %swap3A_118 : i32 to index
    %swap3A_120 = arith.constant 64 : index
    %swap3A_121 = tpu.vector_load %arg7[%swap3A_119, %swap3A_120] {strides = array<i32>} : memref<128x128xf32, #tpu.memory_space<vmem>>, vector<1x16xf32>,
    %swap3A_122 = vector.shape_cast %swap3A_121 : vector<1x16xf32> to vector<16xf32>
    %swap3A_123 = vector.shape_cast %scan3A_93#4 : vector<16xf32> to vector<1x16xf32>
    tpu.vector_store %arg7[%swap3A_119, %swap3A_120], %swap3A_123 {strides = array<i32>} : memref<128x128xf32, #tpu.memory_space<vmem>>, vector<1x16xf32>,
    %swap3A_124 = arith.constant 126 : i32
    %swap3A_125 = arith.index_cast %swap3A_124 : i32 to index
    %swap3A_126 = arith.constant 80 : index
    %swap3A_127 = tpu.vector_load %arg7[%swap3A_125, %swap3A_126] {strides = array<i32>} : memref<128x128xf32, #tpu.memory_space<vmem>>, vector<1x16xf32>,
    %swap3A_128 = vector.shape_cast %swap3A_127 : vector<1x16xf32> to vector<16xf32>
    %swap3A_129 = vector.shape_cast %scan3A_93#5 : vector<16xf32> to vector<1x16xf32>
    tpu.vector_store %arg7[%swap3A_125, %swap3A_126], %swap3A_129 {strides = array<i32>} : memref<128x128xf32, #tpu.memory_space<vmem>>, vector<1x16xf32>,
    %swap3A_130 = arith.constant 126 : i32
    %swap3A_131 = arith.index_cast %swap3A_130 : i32 to index
    %swap3A_132 = arith.constant 84 : index
    %swap3A_133 = tpu.vector_load %arg7[%swap3A_131, %swap3A_132] {strides = array<i32>} : memref<128x128xf32, #tpu.memory_space<vmem>>, vector<1x16xf32>,
    %swap3A_134 = vector.shape_cast %swap3A_133 : vector<1x16xf32> to vector<16xf32>
    %swap3A_135 = vector.shape_cast %scan3A_93#6 : vector<16xf32> to vector<1x16xf32>
    tpu.vector_store %arg7[%swap3A_131, %swap3A_132], %swap3A_135 {strides = array<i32>} : memref<128x128xf32, #tpu.memory_space<vmem>>, vector<1x16xf32>,
    %dma_wait3A_136 = arith.constant 254 : i32
    %dma_wait3A_137 = arith.constant 1 : i32
    %dma_wait3A_138 = arith.constant 0 : i32
    %dma_wait3A_139 = arith.constant 0 : i32
    %dma_wait3A_140 = tpu.memref_slice %arg6[%dma_wait3A_137, %dma_wait3A_138, %dma_wait3A_139] : memref<3x200x128xf32, #tpu.memory_space<vmem>> -> memref<1x100x128xf32, #tpu.memory_space<vmem>>
    %dma_wait3A_141 = tpu.memref_squeeze %dma_wait3A_140 : memref<1x100x128xf32, #tpu.memory_space<vmem>> -> memref<100x128xf32, #tpu.memory_space<vmem>>
    %dma_wait3A_142 = arith.constant 0 : i32
    %dma_wait3A_143 = tpu.memref_slice %arg5[%dma_wait3A_136, %dma_wait3A_142] : memref<256x100xi32, #tpu.memory_space<vmem>> -> memref<1x100xi32, #tpu.memory_space<vmem>>
    %dma_wait3A_144 = tpu.memref_squeeze %dma_wait3A_143 : memref<1x100xi32, #tpu.memory_space<vmem>> -> memref<100xi32, #tpu.memory_space<vmem>>
    %dma_wait3A_145 = arith.constant 0 : i32
    %dma_wait3A_146 = arith.constant 0 : i32
    %dma_wait3A_147 = tpu.memref_slice %arg3[%dma_wait3A_145, %dma_wait3A_146] : memref<100000x128xf32, #tpu.memory_space<hbm>> -> memref<100000x128xf32, #tpu.memory_space<hbm>>
    tpu.wait_indirect_dma semaphore(%arg9 : memref<!tpu.dma_semaphore, #tpu.memory_space<semaphore_mem>>) src(%dma_wait3A_147 : memref<100000x128xf32, #tpu.memory_space<hbm>>) dst(%dma_wait3A_141 : memref<100x128xf32, #tpu.memory_space<vmem>>)
    %dma_wait3A_148 = arith.constant 255 : i32
    %dma_wait3A_149 = arith.constant 1 : i32
    %dma_wait3A_150 = arith.constant 100 : i32
    %dma_wait3A_151 = arith.constant 0 : i32
    %dma_wait3A_152 = tpu.memref_slice %arg6[%dma_wait3A_149, %dma_wait3A_150, %dma_wait3A_151] : memref<3x200x128xf32, #tpu.memory_space<vmem>> -> memref<1x100x128xf32, #tpu.memory_space<vmem>>
    %dma_wait3A_153 = tpu.memref_squeeze %dma_wait3A_152 : memref<1x100x128xf32, #tpu.memory_space<vmem>> -> memref<100x128xf32, #tpu.memory_space<vmem>>
    %dma_wait3A_154 = arith.constant 0 : i32
    %dma_wait3A_155 = tpu.memref_slice %arg5[%dma_wait3A_148, %dma_wait3A_154] : memref<256x100xi32, #tpu.memory_space<vmem>> -> memref<1x100xi32, #tpu.memory_space<vmem>>
    %dma_wait3A_156 = tpu.memref_squeeze %dma_wait3A_155 : memref<1x100xi32, #tpu.memory_space<vmem>> -> memref<100xi32, #tpu.memory_space<vmem>>
    %dma_wait3A_157 = arith.constant 0 : i32
    %dma_wait3A_158 = arith.constant 0 : i32
    %dma_wait3A_159 = tpu.memref_slice %arg3[%dma_wait3A_157, %dma_wait3A_158] : memref<100000x128xf32, #tpu.memory_space<hbm>> -> memref<100000x128xf32, #tpu.memory_space<hbm>>
    tpu.wait_indirect_dma semaphore(%arg9 : memref<!tpu.dma_semaphore, #tpu.memory_space<semaphore_mem>>) src(%dma_wait3A_159 : memref<100000x128xf32, #tpu.memory_space<hbm>>) dst(%dma_wait3A_153 : memref<100x128xf32, #tpu.memory_space<vmem>>)
    %scan3A_160 = arith.constant 0 : i32
    %scan3A_161 = arith.constant 50 : i32
    %scan3A_162 = arith.addi %scan3A_160, %scan3A_161 : i32
    %scan3A_163 = arith.constant 1 : i32
    %scan3A_164:7 = scf.for %scan3A_210 = %scan3A_160 to %scan3A_162 step %scan3A_163 iter_args(%scan3A_211 = %broadcast_in_dim3A_5, %scan3A_212 = %broadcast_in_dim3A_5, %scan3A_213 = %broadcast_in_dim3A_5, %scan3A_214 = %broadcast_in_dim3A_5, %scan3A_215 = %broadcast_in_dim3A_5, %scan3A_216 = %broadcast_in_dim3A_5, %scan3A_217 = %broadcast_in_dim3A_5) -> (vector<16xf32>, vector<16xf32>, vector<16xf32>, vector<16xf32>, vector<16xf32>, vector<16xf32>, vector<16xf32>)  : i32 {
      %mul3A_218 = arith.constant 4 : i32
      %mul3A_219 = arith.muli %mul3A_218, %scan3A_210 : i32
      %add3A_220 = arith.constant 0 : i32
      %add3A_221 = arith.addi %mul3A_219, %add3A_220 : i32
      %get3A = arith.constant 1 : i32
      %get3A_222 = arith.index_cast %get3A : i32 to index
      %get3A_223 = arith.index_cast %add3A_221 : i32 to index
      %get3A_224 = arith.constant 0 : index
      %get3A_225 = tpu.vector_load %arg6[%get3A_222, %get3A_223, %get3A_224] {strides = array<i32>} : memref<3x200x128xf32, #tpu.memory_space<vmem>>, vector<1x1x16xf32>,
      %get3A_226 = vector.shape_cast %get3A_225 : vector<1x1x16xf32> to vector<16xf32>
      %add3A_227 = arith.addf %scan3A_211, %get3A_226 : vector<16xf32>
      %get3A_228 = arith.constant 1 : i32
      %get3A_229 = arith.index_cast %get3A_228 : i32 to index
      %get3A_230 = arith.index_cast %add3A_221 : i32 to index
      %get3A_231 = arith.constant 16 : index
      %get3A_232 = tpu.vector_load %arg6[%get3A_229, %get3A_230, %get3A_231] {strides = array<i32>} : memref<3x200x128xf32, #tpu.memory_space<vmem>>, vector<1x1x16xf32>,
      %get3A_233 = vector.shape_cast %get3A_232 : vector<1x1x16xf32> to vector<16xf32>
      %add3A_234 = arith.addf %scan3A_212, %get3A_233 : vector<16xf32>
      %get3A_235 = arith.constant 1 : i32
      %get3A_236 = arith.index_cast %get3A_235 : i32 to index
      %get3A_237 = arith.index_cast %add3A_221 : i32 to index
      %get3A_238 = arith.constant 32 : index
      %get3A_239 = tpu.vector_load %arg6[%get3A_236, %get3A_237, %get3A_238] {strides = array<i32>} : memref<3x200x128xf32, #tpu.memory_space<vmem>>, vector<1x1x16xf32>,
      %get3A_240 = vector.shape_cast %get3A_239 : vector<1x1x16xf32> to vector<16xf32>
      %add3A_241 = arith.addf %scan3A_213, %get3A_240 : vector<16xf32>
      %get3A_242 = arith.constant 1 : i32
      %get3A_243 = arith.index_cast %get3A_242 : i32 to index
      %get3A_244 = arith.index_cast %add3A_221 : i32 to index
      %get3A_245 = arith.constant 48 : index
      %get3A_246 = tpu.vector_load %arg6[%get3A_243, %get3A_244, %get3A_245] {strides = array<i32>} : memref<3x200x128xf32, #tpu.memory_space<vmem>>, vector<1x1x16xf32>,
      %get3A_247 = vector.shape_cast %get3A_246 : vector<1x1x16xf32> to vector<16xf32>
      %add3A_248 = arith.addf %scan3A_214, %get3A_247 : vector<16xf32>
      %get3A_249 = arith.constant 1 : i32
      %get3A_250 = arith.index_cast %get3A_249 : i32 to index
      %get3A_251 = arith.index_cast %add3A_221 : i32 to index
      %get3A_252 = arith.constant 64 : index
      %get3A_253 = tpu.vector_load %arg6[%get3A_250, %get3A_251, %get3A_252] {strides = array<i32>} : memref<3x200x128xf32, #tpu.memory_space<vmem>>, vector<1x1x16xf32>,
      %get3A_254 = vector.shape_cast %get3A_253 : vector<1x1x16xf32> to vector<16xf32>
      %add3A_255 = arith.addf %scan3A_215, %get3A_254 : vector<16xf32>
      %get3A_256 = arith.constant 1 : i32
      %get3A_257 = arith.index_cast %get3A_256 : i32 to index
      %get3A_258 = arith.index_cast %add3A_221 : i32 to index
      %get3A_259 = arith.constant 80 : index
      %get3A_260 = tpu.vector_load %arg6[%get3A_257, %get3A_258, %get3A_259] {strides = array<i32>} : memref<3x200x128xf32, #tpu.memory_space<vmem>>, vector<1x1x16xf32>,
      %get3A_261 = vector.shape_cast %get3A_260 : vector<1x1x16xf32> to vector<16xf32>
      %add3A_262 = arith.addf %scan3A_216, %get3A_261 : vector<16xf32>
      %get3A_263 = arith.constant 1 : i32
      %get3A_264 = arith.index_cast %get3A_263 : i32 to index
      %get3A_265 = arith.index_cast %add3A_221 : i32 to index
      %get3A_266 = arith.constant 84 : index
      %get3A_267 = tpu.vector_load %arg6[%get3A_264, %get3A_265, %get3A_266] {strides = array<i32>} : memref<3x200x128xf32, #tpu.memory_space<vmem>>, vector<1x1x16xf32>,
      %get3A_268 = vector.shape_cast %get3A_267 : vector<1x1x16xf32> to vector<16xf32>
      %add3A_269 = arith.addf %scan3A_217, %get3A_268 : vector<16xf32>
      %mul3A_270 = arith.constant 4 : i32
      %mul3A_271 = arith.muli %mul3A_270, %scan3A_210 : i32
      %add3A_272 = arith.constant 1 : i32
      %add3A_273 = arith.addi %mul3A_271, %add3A_272 : i32
      %get3A_274 = arith.constant 1 : i32
      %get3A_275 = arith.index_cast %get3A_274 : i32 to index
      %get3A_276 = arith.index_cast %add3A_273 : i32 to index
      %get3A_277 = arith.constant 0 : index
      %get3A_278 = tpu.vector_load %arg6[%get3A_275, %get3A_276, %get3A_277] {strides = array<i32>} : memref<3x200x128xf32, #tpu.memory_space<vmem>>, vector<1x1x16xf32>,
      %get3A_279 = vector.shape_cast %get3A_278 : vector<1x1x16xf32> to vector<16xf32>
      %add3A_280 = arith.addf %add3A_227, %get3A_279 : vector<16xf32>
      %get3A_281 = arith.constant 1 : i32
      %get3A_282 = arith.index_cast %get3A_281 : i32 to index
      %get3A_283 = arith.index_cast %add3A_273 : i32 to index
      %get3A_284 = arith.constant 16 : index
      %get3A_285 = tpu.vector_load %arg6[%get3A_282, %get3A_283, %get3A_284] {strides = array<i32>} : memref<3x200x128xf32, #tpu.memory_space<vmem>>, vector<1x1x16xf32>,
      %get3A_286 = vector.shape_cast %get3A_285 : vector<1x1x16xf32> to vector<16xf32>
      %add3A_287 = arith.addf %add3A_234, %get3A_286 : vector<16xf32>
      %get3A_288 = arith.constant 1 : i32
      %get3A_289 = arith.index_cast %get3A_288 : i32 to index
      %get3A_290 = arith.index_cast %add3A_273 : i32 to index
      %get3A_291 = arith.constant 32 : index
      %get3A_292 = tpu.vector_load %arg6[%get3A_289, %get3A_290, %get3A_291] {strides = array<i32>} : memref<3x200x128xf32, #tpu.memory_space<vmem>>, vector<1x1x16xf32>,
      %get3A_293 = vector.shape_cast %get3A_292 : vector<1x1x16xf32> to vector<16xf32>
      %add3A_294 = arith.addf %add3A_241, %get3A_293 : vector<16xf32>
      %get3A_295 = arith.constant 1 : i32
      %get3A_296 = arith.index_cast %get3A_295 : i32 to index
      %get3A_297 = arith.index_cast %add3A_273 : i32 to index
      %get3A_298 = arith.constant 48 : index
      %get3A_299 = tpu.vector_load %arg6[%get3A_296, %get3A_297, %get3A_298] {strides = array<i32>} : memref<3x200x128xf32, #tpu.memory_space<vmem>>, vector<1x1x16xf32>,
      %get3A_300 = vector.shape_cast %get3A_299 : vector<1x1x16xf32> to vector<16xf32>
      %add3A_301 = arith.addf %add3A_248, %get3A_300 : vector<16xf32>
      %get3A_302 = arith.constant 1 : i32
      %get3A_303 = arith.index_cast %get3A_302 : i32 to index
      %get3A_304 = arith.index_cast %add3A_273 : i32 to index
      %get3A_305 = arith.constant 64 : index
      %get3A_306 = tpu.vector_load %arg6[%get3A_303, %get3A_304, %get3A_305] {strides = array<i32>} : memref<3x200x128xf32, #tpu.memory_space<vmem>>, vector<1x1x16xf32>,
      %get3A_307 = vector.shape_cast %get3A_306 : vector<1x1x16xf32> to vector<16xf32>
      %add3A_308 = arith.addf %add3A_255, %get3A_307 : vector<16xf32>
      %get3A_309 = arith.constant 1 : i32
      %get3A_310 = arith.index_cast %get3A_309 : i32 to index
      %get3A_311 = arith.index_cast %add3A_273 : i32 to index
      %get3A_312 = arith.constant 80 : index
      %get3A_313 = tpu.vector_load %arg6[%get3A_310, %get3A_311, %get3A_312] {strides = array<i32>} : memref<3x200x128xf32, #tpu.memory_space<vmem>>, vector<1x1x16xf32>,
      %get3A_314 = vector.shape_cast %get3A_313 : vector<1x1x16xf32> to vector<16xf32>
      %add3A_315 = arith.addf %add3A_262, %get3A_314 : vector<16xf32>
      %get3A_316 = arith.constant 1 : i32
      %get3A_317 = arith.index_cast %get3A_316 : i32 to index
      %get3A_318 = arith.index_cast %add3A_273 : i32 to index
      %get3A_319 = arith.constant 84 : index
      %get3A_320 = tpu.vector_load %arg6[%get3A_317, %get3A_318, %get3A_319] {strides = array<i32>} : memref<3x200x128xf32, #tpu.memory_space<vmem>>, vector<1x1x16xf32>,
      %get3A_321 = vector.shape_cast %get3A_320 : vector<1x1x16xf32> to vector<16xf32>
      %add3A_322 = arith.addf %add3A_269, %get3A_321 : vector<16xf32>
      %mul3A_323 = arith.constant 4 : i32
      %mul3A_324 = arith.muli %mul3A_323, %scan3A_210 : i32
      %add3A_325 = arith.constant 2 : i32
      %add3A_326 = arith.addi %mul3A_324, %add3A_325 : i32
      %get3A_327 = arith.constant 1 : i32
      %get3A_328 = arith.index_cast %get3A_327 : i32 to index
      %get3A_329 = arith.index_cast %add3A_326 : i32 to index
      %get3A_330 = arith.constant 0 : index
      %get3A_331 = tpu.vector_load %arg6[%get3A_328, %get3A_329, %get3A_330] {strides = array<i32>} : memref<3x200x128xf32, #tpu.memory_space<vmem>>, vector<1x1x16xf32>,
      %get3A_332 = vector.shape_cast %get3A_331 : vector<1x1x16xf32> to vector<16xf32>
      %add3A_333 = arith.addf %add3A_280, %get3A_332 : vector<16xf32>
      %get3A_334 = arith.constant 1 : i32
      %get3A_335 = arith.index_cast %get3A_334 : i32 to index
      %get3A_336 = arith.index_cast %add3A_326 : i32 to index
      %get3A_337 = arith.constant 16 : index
      %get3A_338 = tpu.vector_load %arg6[%get3A_335, %get3A_336, %get3A_337] {strides = array<i32>} : memref<3x200x128xf32, #tpu.memory_space<vmem>>, vector<1x1x16xf32>,
      %get3A_339 = vector.shape_cast %get3A_338 : vector<1x1x16xf32> to vector<16xf32>
      %add3A_340 = arith.addf %add3A_287, %get3A_339 : vector<16xf32>
      %get3A_341 = arith.constant 1 : i32
      %get3A_342 = arith.index_cast %get3A_341 : i32 to index
      %get3A_343 = arith.index_cast %add3A_326 : i32 to index
      %get3A_344 = arith.constant 32 : index
      %get3A_345 = tpu.vector_load %arg6[%get3A_342, %get3A_343, %get3A_344] {strides = array<i32>} : memref<3x200x128xf32, #tpu.memory_space<vmem>>, vector<1x1x16xf32>,
      %get3A_346 = vector.shape_cast %get3A_345 : vector<1x1x16xf32> to vector<16xf32>
      %add3A_347 = arith.addf %add3A_294, %get3A_346 : vector<16xf32>
      %get3A_348 = arith.constant 1 : i32
      %get3A_349 = arith.index_cast %get3A_348 : i32 to index
      %get3A_350 = arith.index_cast %add3A_326 : i32 to index
      %get3A_351 = arith.constant 48 : index
      %get3A_352 = tpu.vector_load %arg6[%get3A_349, %get3A_350, %get3A_351] {strides = array<i32>} : memref<3x200x128xf32, #tpu.memory_space<vmem>>, vector<1x1x16xf32>,
      %get3A_353 = vector.shape_cast %get3A_352 : vector<1x1x16xf32> to vector<16xf32>
      %add3A_354 = arith.addf %add3A_301, %get3A_353 : vector<16xf32>
      %get3A_355 = arith.constant 1 : i32
      %get3A_356 = arith.index_cast %get3A_355 : i32 to index
      %get3A_357 = arith.index_cast %add3A_326 : i32 to index
      %get3A_358 = arith.constant 64 : index
      %get3A_359 = tpu.vector_load %arg6[%get3A_356, %get3A_357, %get3A_358] {strides = array<i32>} : memref<3x200x128xf32, #tpu.memory_space<vmem>>, vector<1x1x16xf32>,
      %get3A_360 = vector.shape_cast %get3A_359 : vector<1x1x16xf32> to vector<16xf32>
      %add3A_361 = arith.addf %add3A_308, %get3A_360 : vector<16xf32>
      %get3A_362 = arith.constant 1 : i32
      %get3A_363 = arith.index_cast %get3A_362 : i32 to index
      %get3A_364 = arith.index_cast %add3A_326 : i32 to index
      %get3A_365 = arith.constant 80 : index
      %get3A_366 = tpu.vector_load %arg6[%get3A_363, %get3A_364, %get3A_365] {strides = array<i32>} : memref<3x200x128xf32, #tpu.memory_space<vmem>>, vector<1x1x16xf32>,
      %get3A_367 = vector.shape_cast %get3A_366 : vector<1x1x16xf32> to vector<16xf32>
      %add3A_368 = arith.addf %add3A_315, %get3A_367 : vector<16xf32>
      %get3A_369 = arith.constant 1 : i32
      %get3A_370 = arith.index_cast %get3A_369 : i32 to index
      %get3A_371 = arith.index_cast %add3A_326 : i32 to index
      %get3A_372 = arith.constant 84 : index
      %get3A_373 = tpu.vector_load %arg6[%get3A_370, %get3A_371, %get3A_372] {strides = array<i32>} : memref<3x200x128xf32, #tpu.memory_space<vmem>>, vector<1x1x16xf32>,
      %get3A_374 = vector.shape_cast %get3A_373 : vector<1x1x16xf32> to vector<16xf32>
      %add3A_375 = arith.addf %add3A_322, %get3A_374 : vector<16xf32>
      %mul3A_376 = arith.constant 4 : i32
      %mul3A_377 = arith.muli %mul3A_376, %scan3A_210 : i32
      %add3A_378 = arith.constant 3 : i32
      %add3A_379 = arith.addi %mul3A_377, %add3A_378 : i32
      %get3A_380 = arith.constant 1 : i32
      %get3A_381 = arith.index_cast %get3A_380 : i32 to index
      %get3A_382 = arith.index_cast %add3A_379 : i32 to index
      %get3A_383 = arith.constant 0 : index
      %get3A_384 = tpu.vector_load %arg6[%get3A_381, %get3A_382, %get3A_383] {strides = array<i32>} : memref<3x200x128xf32, #tpu.memory_space<vmem>>, vector<1x1x16xf32>,
      %get3A_385 = vector.shape_cast %get3A_384 : vector<1x1x16xf32> to vector<16xf32>
      %add3A_386 = arith.addf %add3A_333, %get3A_385 : vector<16xf32>
      %get3A_387 = arith.constant 1 : i32
      %get3A_388 = arith.index_cast %get3A_387 : i32 to index
      %get3A_389 = arith.index_cast %add3A_379 : i32 to index
      %get3A_390 = arith.constant 16 : index
      %get3A_391 = tpu.vector_load %arg6[%get3A_388, %get3A_389, %get3A_390] {strides = array<i32>} : memref<3x200x128xf32, #tpu.memory_space<vmem>>, vector<1x1x16xf32>,
      %get3A_392 = vector.shape_cast %get3A_391 : vector<1x1x16xf32> to vector<16xf32>
      %add3A_393 = arith.addf %add3A_340, %get3A_392 : vector<16xf32>
      %get3A_394 = arith.constant 1 : i32
      %get3A_395 = arith.index_cast %get3A_394 : i32 to index
      %get3A_396 = arith.index_cast %add3A_379 : i32 to index
      %get3A_397 = arith.constant 32 : index
      %get3A_398 = tpu.vector_load %arg6[%get3A_395, %get3A_396, %get3A_397] {strides = array<i32>} : memref<3x200x128xf32, #tpu.memory_space<vmem>>, vector<1x1x16xf32>,
      %get3A_399 = vector.shape_cast %get3A_398 : vector<1x1x16xf32> to vector<16xf32>
      %add3A_400 = arith.addf %add3A_347, %get3A_399 : vector<16xf32>
      %get3A_401 = arith.constant 1 : i32
      %get3A_402 = arith.index_cast %get3A_401 : i32 to index
      %get3A_403 = arith.index_cast %add3A_379 : i32 to index
      %get3A_404 = arith.constant 48 : index
      %get3A_405 = tpu.vector_load %arg6[%get3A_402, %get3A_403, %get3A_404] {strides = array<i32>} : memref<3x200x128xf32, #tpu.memory_space<vmem>>, vector<1x1x16xf32>,
      %get3A_406 = vector.shape_cast %get3A_405 : vector<1x1x16xf32> to vector<16xf32>
      %add3A_407 = arith.addf %add3A_354, %get3A_406 : vector<16xf32>
      %get3A_408 = arith.constant 1 : i32
      %get3A_409 = arith.index_cast %get3A_408 : i32 to index
      %get3A_410 = arith.index_cast %add3A_379 : i32 to index
      %get3A_411 = arith.constant 64 : index
      %get3A_412 = tpu.vector_load %arg6[%get3A_409, %get3A_410, %get3A_411] {strides = array<i32>} : memref<3x200x128xf32, #tpu.memory_space<vmem>>, vector<1x1x16xf32>,
      %get3A_413 = vector.shape_cast %get3A_412 : vector<1x1x16xf32> to vector<16xf32>
      %add3A_414 = arith.addf %add3A_361, %get3A_413 : vector<16xf32>
      %get3A_415 = arith.constant 1 : i32
      %get3A_416 = arith.index_cast %get3A_415 : i32 to index
      %get3A_417 = arith.index_cast %add3A_379 : i32 to index
      %get3A_418 = arith.constant 80 : index
      %get3A_419 = tpu.vector_load %arg6[%get3A_416, %get3A_417, %get3A_418] {strides = array<i32>} : memref<3x200x128xf32, #tpu.memory_space<vmem>>, vector<1x1x16xf32>,
      %get3A_420 = vector.shape_cast %get3A_419 : vector<1x1x16xf32> to vector<16xf32>
      %add3A_421 = arith.addf %add3A_368, %get3A_420 : vector<16xf32>
      %get3A_422 = arith.constant 1 : i32
      %get3A_423 = arith.index_cast %get3A_422 : i32 to index
      %get3A_424 = arith.index_cast %add3A_379 : i32 to index
      %get3A_425 = arith.constant 84 : index
      %get3A_426 = tpu.vector_load %arg6[%get3A_423, %get3A_424, %get3A_425] {strides = array<i32>} : memref<3x200x128xf32, #tpu.memory_space<vmem>>, vector<1x1x16xf32>,
      %get3A_427 = vector.shape_cast %get3A_426 : vector<1x1x16xf32> to vector<16xf32>
      %add3A_428 = arith.addf %add3A_375, %get3A_427 : vector<16xf32>
      scf.yield %add3A_386, %add3A_393, %add3A_400, %add3A_407, %add3A_414, %add3A_421, %add3A_428 : vector<16xf32>, vector<16xf32>, vector<16xf32>, vector<16xf32>, vector<16xf32>, vector<16xf32>, vector<16xf32>
    }
    %scan3A_165 = arith.constant 50 : i32
    %swap3A_166 = arith.constant 127 : i32
    %swap3A_167 = arith.index_cast %swap3A_166 : i32 to index
    %swap3A_168 = arith.constant 0 : index
    %swap3A_169 = tpu.vector_load %arg7[%swap3A_167, %swap3A_168] {strides = array<i32>} : memref<128x128xf32, #tpu.memory_space<vmem>>, vector<1x16xf32>,
    %swap3A_170 = vector.shape_cast %swap3A_169 : vector<1x16xf32> to vector<16xf32>
    %swap3A_171 = vector.shape_cast %scan3A_164#0 : vector<16xf32> to vector<1x16xf32>
    tpu.vector_store %arg7[%swap3A_167, %swap3A_168], %swap3A_171 {strides = array<i32>} : memref<128x128xf32, #tpu.memory_space<vmem>>, vector<1x16xf32>,
    %swap3A_172 = arith.constant 127 : i32
    %swap3A_173 = arith.index_cast %swap3A_172 : i32 to index
    %swap3A_174 = arith.constant 16 : index
    %swap3A_175 = tpu.vector_load %arg7[%swap3A_173, %swap3A_174] {strides = array<i32>} : memref<128x128xf32, #tpu.memory_space<vmem>>, vector<1x16xf32>,
    %swap3A_176 = vector.shape_cast %swap3A_175 : vector<1x16xf32> to vector<16xf32>
    %swap3A_177 = vector.shape_cast %scan3A_164#1 : vector<16xf32> to vector<1x16xf32>
    tpu.vector_store %arg7[%swap3A_173, %swap3A_174], %swap3A_177 {strides = array<i32>} : memref<128x128xf32, #tpu.memory_space<vmem>>, vector<1x16xf32>,
    %swap3A_178 = arith.constant 127 : i32
    %swap3A_179 = arith.index_cast %swap3A_178 : i32 to index
    %swap3A_180 = arith.constant 32 : index
    %swap3A_181 = tpu.vector_load %arg7[%swap3A_179, %swap3A_180] {strides = array<i32>} : memref<128x128xf32, #tpu.memory_space<vmem>>, vector<1x16xf32>,
    %swap3A_182 = vector.shape_cast %swap3A_181 : vector<1x16xf32> to vector<16xf32>
    %swap3A_183 = vector.shape_cast %scan3A_164#2 : vector<16xf32> to vector<1x16xf32>
    tpu.vector_store %arg7[%swap3A_179, %swap3A_180], %swap3A_183 {strides = array<i32>} : memref<128x128xf32, #tpu.memory_space<vmem>>, vector<1x16xf32>,
    %swap3A_184 = arith.constant 127 : i32
    %swap3A_185 = arith.index_cast %swap3A_184 : i32 to index
    %swap3A_186 = arith.constant 48 : index
    %swap3A_187 = tpu.vector_load %arg7[%swap3A_185, %swap3A_186] {strides = array<i32>} : memref<128x128xf32, #tpu.memory_space<vmem>>, vector<1x16xf32>,
    %swap3A_188 = vector.shape_cast %swap3A_187 : vector<1x16xf32> to vector<16xf32>
    %swap3A_189 = vector.shape_cast %scan3A_164#3 : vector<16xf32> to vector<1x16xf32>
    tpu.vector_store %arg7[%swap3A_185, %swap3A_186], %swap3A_189 {strides = array<i32>} : memref<128x128xf32, #tpu.memory_space<vmem>>, vector<1x16xf32>,
    %swap3A_190 = arith.constant 127 : i32
    %swap3A_191 = arith.index_cast %swap3A_190 : i32 to index
    %swap3A_192 = arith.constant 64 : index
    %swap3A_193 = tpu.vector_load %arg7[%swap3A_191, %swap3A_192] {strides = array<i32>} : memref<128x128xf32, #tpu.memory_space<vmem>>, vector<1x16xf32>,
    %swap3A_194 = vector.shape_cast %swap3A_193 : vector<1x16xf32> to vector<16xf32>
    %swap3A_195 = vector.shape_cast %scan3A_164#4 : vector<16xf32> to vector<1x16xf32>
    tpu.vector_store %arg7[%swap3A_191, %swap3A_192], %swap3A_195 {strides = array<i32>} : memref<128x128xf32, #tpu.memory_space<vmem>>, vector<1x16xf32>,
    %swap3A_196 = arith.constant 127 : i32
    %swap3A_197 = arith.index_cast %swap3A_196 : i32 to index
    %swap3A_198 = arith.constant 80 : index
    %swap3A_199 = tpu.vector_load %arg7[%swap3A_197, %swap3A_198] {strides = array<i32>} : memref<128x128xf32, #tpu.memory_space<vmem>>, vector<1x16xf32>,
    %swap3A_200 = vector.shape_cast %swap3A_199 : vector<1x16xf32> to vector<16xf32>
    %swap3A_201 = vector.shape_cast %scan3A_164#5 : vector<16xf32> to vector<1x16xf32>
    tpu.vector_store %arg7[%swap3A_197, %swap3A_198], %swap3A_201 {strides = array<i32>} : memref<128x128xf32, #tpu.memory_space<vmem>>, vector<1x16xf32>,
    %swap3A_202 = arith.constant 127 : i32
    %swap3A_203 = arith.index_cast %swap3A_202 : i32 to index
    %swap3A_204 = arith.constant 84 : index
    %swap3A_205 = tpu.vector_load %arg7[%swap3A_203, %swap3A_204] {strides = array<i32>} : memref<128x128xf32, #tpu.memory_space<vmem>>, vector<1x16xf32>,
    %swap3A_206 = vector.shape_cast %swap3A_205 : vector<1x16xf32> to vector<16xf32>
    %swap3A_207 = vector.shape_cast %scan3A_164#6 : vector<16xf32> to vector<1x16xf32>
    tpu.vector_store %arg7[%swap3A_203, %swap3A_204], %swap3A_207 {strides = array<i32>} : memref<128x128xf32, #tpu.memory_space<vmem>>, vector<1x16xf32>,
    %mul3A_208 = arith.constant 128 : i32
    %mul3A_209 = arith.muli %add3A, %mul3A_208 : i32
    "tpu.region"() ({
      %run_scoped3A = tpu.sem_alloc : memref<!tpu.dma_semaphore, #tpu.memory_space<semaphore_mem>>
      %dma_start3A_210 = arith.constant 0 : i32
      %dma_start3A_211 = tpu.memref_slice %arg4[%mul3A_209, %dma_start3A_210] : memref<4096x128xf32, #tpu.memory_space<hbm>> -> memref<128x128xf32, #tpu.memory_space<hbm>>
      %dma_start3A_212 = arith.constant 0 : i32
      %dma_start3A_213 = tpu.memref_slice %arg4[%mul3A_209, %dma_start3A_212] : memref<4096x128xf32, #tpu.memory_space<hbm>> -> memref<128x128xf32, #tpu.memory_space<hbm>>
      tpu.enqueue_dma source(%arg7 : memref<128x128xf32, #tpu.memory_space<vmem>>) target(%dma_start3A_213 : memref<128x128xf32, #tpu.memory_space<hbm>>) target_semaphore(%run_scoped3A : memref<!tpu.dma_semaphore, #tpu.memory_space<semaphore_mem>>)
      %dma_wait3A_214 = arith.constant 0 : i32
      %dma_wait3A_215 = tpu.memref_slice %arg4[%mul3A_209, %dma_wait3A_214] : memref<4096x128xf32, #tpu.memory_space<hbm>> -> memref<128x128xf32, #tpu.memory_space<hbm>>
      %dma_wait3A_216 = arith.constant 0 : i32
      %dma_wait3A_217 = tpu.memref_slice %arg4[%mul3A_209, %dma_wait3A_216] : memref<4096x128xf32, #tpu.memory_space<hbm>> -> memref<128x128xf32, #tpu.memory_space<hbm>>
      tpu.wait_dma2 semaphore(%run_scoped3A : memref<!tpu.dma_semaphore, #tpu.memory_space<semaphore_mem>>) src(%arg7 : memref<128x128xf32, #tpu.memory_space<vmem>>) dst(%dma_wait3A_217 : memref<128x128xf32, #tpu.memory_space<hbm>>)
      tpu.yield
    }) : () -> ()
    return
  }
}

module attributes {stable_mosaic.version = 14 : i64} {
  func.func @_pad_body(%arg0: i32, %arg1: memref<100x12800xf32, #tpu.memory_space<vmem>>, %arg2: memref<12800x128xf32, #tpu.memory_space<vmem>>) attributes {dimension_semantics = [#tpu.dimension_semantics<arbitrary>], iteration_bounds = array<i64: 8>, scalar_prefetch = 0 : i64, scratch_operands = 0 : i64, tpu.core_type = #tpu.core_type<tc>, window_params = [{transform_indices = @transform_0, window_bounds = array<i64: 100, 12800>}, {transform_indices = @transform_1, window_bounds = array<i64: 12800, 128>}]} {
    %get3A = arith.constant 0 : index
    %get3A_0 = arith.constant 0 : index
    %get3A_1 = vector.load %arg1[%get3A, %get3A_0] : memref<100x12800xf32, #tpu.memory_space<vmem>>, vector<100x12800xf32>
    %transpose3A = tpu.transpose %get3A_1, [1, 0] : vector<100x12800xf32> -> vector<12800x100xf32>
    %broadcast_in_dim3A = arith.constant 0.000000e+00 : f32
    %broadcast_in_dim3A_2 = vector.broadcast %broadcast_in_dim3A : f32 to vector<12800x28xf32>
    %concatenate3A = tpu.concatenate %transpose3A, %broadcast_in_dim3A_2 in 1 : vector<12800x100xf32>, vector<12800x28xf32> -> vector<12800x128xf32>
    %swap3A = arith.constant 0 : index
    %swap3A_3 = arith.constant 0 : index
    %swap3A_4 = vector.load %arg2[%swap3A, %swap3A_3] : memref<12800x128xf32, #tpu.memory_space<vmem>>, vector<12800x128xf32>
    tpu.vector_store %arg2[%swap3A, %swap3A_3], %concatenate3A {strides = array<i32>} : memref<12800x128xf32, #tpu.memory_space<vmem>>, vector<12800x128xf32>,
    return
  }
  func.func @transform_0(%arg0: i32) -> (i32, i32) {
    %c0_i32 = arith.constant 0 : i32
    %c0_i32_0 = arith.constant 0 : i32
    return %c0_i32, %arg0 : i32, i32
  }
  func.func @transform_1(%arg0: i32) -> (i32, i32) {
    %c0_i32 = arith.constant 0 : i32
    %c0_i32_0 = arith.constant 0 : i32
    return %arg0, %c0_i32 : i32, i32
  }
}

module attributes {stable_mosaic.version = 14 : i64} {
  func.func @_mm_body(%arg0: i32, %arg1: memref<512x128xf32, #tpu.memory_space<vmem>>, %arg2: memref<128x90xf32, #tpu.memory_space<vmem>>, %arg3: memref<1x90xf32, #tpu.memory_space<vmem>>, %arg4: memref<512x90xf32, #tpu.memory_space<vmem>>) attributes {dimension_semantics = [#tpu.dimension_semantics<arbitrary>], iteration_bounds = array<i64: 8>, scalar_prefetch = 0 : i64, scratch_operands = 0 : i64, tpu.core_type = #tpu.core_type<tc>, window_params = [{transform_indices = @transform_0, window_bounds = array<i64: 512, 128>}, {pipeline_mode = #tpu.pipeline_mode<synchronous>, transform_indices = @transform_1, window_bounds = array<i64: 128, 90>}, {pipeline_mode = #tpu.pipeline_mode<synchronous>, transform_indices = @transform_2, window_bounds = array<i64: 1, 90>}, {transform_indices = @transform_3, window_bounds = array<i64: 512, 90>}]} {
    %get3A = arith.constant 0 : index
    %get3A_0 = arith.constant 0 : index
    %get3A_1 = vector.load %arg1[%get3A, %get3A_0] : memref<512x128xf32, #tpu.memory_space<vmem>>, vector<512x128xf32>
    %get3A_2 = arith.constant 0 : index
    %get3A_3 = arith.constant 0 : index
    %get3A_4 = vector.load %arg2[%get3A_2, %get3A_3] : memref<128x90xf32, #tpu.memory_space<vmem>>, vector<128x90xf32>
    %dot_general3A = arith.constant dense<0.000000e+00> : vector<512x90xf32>
    %dot_general3A_5 = tpu.matmul %get3A_1, %get3A_4, %dot_general3A {dimension_numbers = #tpu.dot_dimension_numbers<[1], [0], [0], [1], [0, 0, 1, 1], [], []>, transpose_lhs_hint = false} : vector<512x128xf32>, vector<128x90xf32>, vector<512x90xf32> -> vector<512x90xf32>
    %mul3A = arith.constant 5.000000e-03 : f32
    %mul3A_6 = vector.broadcast %mul3A : f32 to vector<512x90xf32>
    %mul3A_7 = arith.mulf %dot_general3A_5, %mul3A_6 : vector<512x90xf32>
    %get3A_8 = arith.constant 0 : index
    %get3A_9 = arith.constant 0 : index
    %get3A_10 = vector.load %arg3[%get3A_8, %get3A_9] : memref<1x90xf32, #tpu.memory_space<vmem>>, vector<1x90xf32>
    %add3A = vector.broadcast %get3A_10 : vector<1x90xf32> to vector<512x90xf32>
    %add3A_11 = arith.addf %mul3A_7, %add3A : vector<512x90xf32>
    %swap3A = arith.constant 0 : index
    %swap3A_12 = arith.constant 0 : index
    %swap3A_13 = vector.load %arg4[%swap3A, %swap3A_12] : memref<512x90xf32, #tpu.memory_space<vmem>>, vector<512x90xf32>
    tpu.vector_store %arg4[%swap3A, %swap3A_12], %add3A_11 {strides = array<i32>} : memref<512x90xf32, #tpu.memory_space<vmem>>, vector<512x90xf32>,
    return
  }
  func.func @transform_0(%arg0: i32) -> (i32, i32) {
    %c0_i32 = arith.constant 0 : i32
    %c0_i32_0 = arith.constant 0 : i32
    return %arg0, %c0_i32 : i32, i32
  }
  func.func @transform_1(%arg0: i32) -> (i32, i32) {
    %c0_i32 = arith.constant 0 : i32
    %c0_i32_0 = arith.constant 0 : i32
    %c0_i32_1 = arith.constant 0 : i32
    return %c0_i32, %c0_i32_0 : i32, i32
  }
  func.func @transform_2(%arg0: i32) -> (i32, i32) {
    %c0_i32 = arith.constant 0 : i32
    %c0_i32_0 = arith.constant 0 : i32
    %c0_i32_1 = arith.constant 0 : i32
    return %c0_i32, %c0_i32_0 : i32, i32
  }
  func.func @transform_3(%arg0: i32) -> (i32, i32) {
    %c0_i32 = arith.constant 0 : i32
    %c0_i32_0 = arith.constant 0 : i32
    return %arg0, %c0_i32 : i32, i32
  }
}

</mosaic_0001>

<sc_bundles>
// kernel: kernel.5.cloned.1.call-start
scs
__scs_entry_jumppad:
0x0: {  	(pc) =	sbr.rel $0x88, $3  }
0x1: {  	(tag) =	ssettag $0x0;
	lr =	simm.s32 $0x1  }
0x2: {  	[smem:$0x3F9D] =	sst lr;
	_ =	strace $0xD0000000  }
0x3: {  	_ = 	snop  }
0x4: {  	_ = 	snop  }
0x5: {  	_ = 	snop  }
0x6: {  	_ = 	snop  }
0x7: {  	_ = 	snop  }
__scs_overlays_trampoline_lowered:
0x8: {  	[smem:$0x3FAC] =	sst s0  }
0x9: {  	[smem:$0x3FAD] =	sst s1  }
0xa: {  	[smem:$0x3FAE] =	sst s2  }
0xb: {  	[smem:$0x3FAF] =	sst s3  }
0xc: {  	[smem:$0x3FB0] =	sst s4  }
0xd: {  	[smem:$0x3FB1] =	sst s5  }
0xe: {  	[smem:$0x3FB2] =	sst s6  }
0xf: {  	[smem:$0x3FB3] =	sst s7  }
0x10: {  	[smem:$0x3FB4] =	sst s8  }
0x11: {  	[smem:$0x3FB5] =	sst s9;
	s0 =	simm.s32 @!p0 $0x0  }
0x12: {  	s1 =	sld [smem:$0x3F9B];
	s0 =	simm.s32 @p0 $0x1  }
0x13: {  	[smem:$0x3FB6] =	sst s0;
	s0 =	simm.s32 @!p1 $0x0  }
0x14: {  	s2 =	sld [smem:$0x3F9A];
	s0 =	simm.s32 @p1 $0x1  }
0x15: {  	[smem:$0x3FB7] =	sst s0;
	s0 =	simm.s32 @!p2 $0x0  }
0x16: {  	s3 =	sld [smem:$0x3FDB];
	s0 =	simm.s32 @p2 $0x1  }
0x17: {  	s4 =	simm.s32 $0x1BF5;
	[smem:$0x3FB9] =	sst s0  }
0x18: {  	s0 =	sld [smem:$0x3F9C];
	_ =	swait.ge [sflag:s4], $0x0  }
0x19: {  	s7 =	sld [smem:$0x3F9D]  }
0x1a: {  	s8 =	sadd.s32 $0xFFFFE003, lr  }
0x1b: {  	s9 =	sadd.s32 $0xFFFFFEF7, lr;
	s5 =	simm.s32 $0xFFFFFFFF;
	p2 =	slt.u32 s8, $0xFFFFF086  }
0x1c: {  	p1 =	slt.u32 s9, $0xF7A;
	s5 =	simm.s32 @!p2 $0x0  }
0x1d: {  	s5 =	simm.s32 @p1 $0x1;
	p0 =	seq.s32 s7, s2  }
0x1e: {  	s7 =	smul.u32 @!p0 $0xF7A, s2;
	p2 =	seq.s32 @!p0 s5, $0x0  }
0x1f: {  	s9 =	smul.u32 $0xF7A, s1;
	s8 =	simm.s32 @!p0 $0x1BF5;
	p2 =	por !p2, p0  }
0x20: {  	[sflag:s8] =	ssyncset.s32 @!p0 $0xFFFFF086;
	s6 =	sadd.s32 @!p0 s3, s7;
	s7 =	simm.s32 @!p0 $0x108  }
0x21: {  	s3 =	sadd.s32 s3, s9;
	s6 =	sadd.s32 @!p0 $0x88, s6;
	s7 =	simm.s32 @p2 $0x1082  }
0x22: {  	[simem:s7], [sflag:s8] =	dma.local @!p0 [hbm:s6], $0xF7A  }
0x23: {  	s9 =	sor.u32 $0xD0000000, s2;
	s6 =	simm.s32 $0x108;
	_ =	swait.ge @!p0 [sflag:s8], $0x0  }
0x24: {  	s3 =	sadd.s32 $0x88, s3;
	s6 =	simm.s32 @!p1 $0x1082;
	[sflag:s4] =	ssyncset.s32 $0xFFFFF086  }
0x25: {  	[simem:s6], [sflag:s4] =	dma.local [hbm:s3], $0xF7A  }
0x26: {  	[smem:$0x3F9D] =	sst s1;
	(tag) =	ssettag s2;
	_ =	strace s9  }
0x27: {  	s1 =	sld [smem:$0x3FAD]  }
0x28: {  	s2 =	sld [smem:$0x3FAE]  }
0x29: {  	s4 =	sld [smem:$0x3FB0]  }
0x2a: {  	p0 =	seq.s32 s5, $0x0;
	s5 =	sld [smem:$0x3FB1]  }
0x2b: {  	s6 =	sld [smem:$0x3FB2]  }
0x2c: {  	s7 =	sld [smem:$0x3FB3]  }
0x2d: {  	s3 =	simm.s32 $0x108;
	s8 =	sld [smem:$0x3FB4]  }
0x2e: {  	s3 =	simm.s32 @!p0 $0x1082;
	s9 =	sld [smem:$0x3FB5]  }
0x2f: {  	lr =	sadd.s32 s0, s3;
	s0 =	sld [smem:$0x3FAC]  }
0x30: {  	s3 =	sld [smem:$0x3FAF]  }
0x31: {  	[smem:$0x3FB8] =	sst s10  }
0x32: {  	s10 =	sld [smem:$0x3FB6];
	_ =	sdelay $0x3  }
0x33: {  	p0 =	seq.s32 s10, $0x1;
	s10 =	sld [smem:$0x3FB8];
	_ =	sdelay $0x3  }
0x34: {  	[smem:$0x3FB8] =	sst s10  }
0x35: {  	s10 =	sld [smem:$0x3FB7];
	_ =	sdelay $0x3  }
0x36: {  	p1 =	seq.s32 s10, $0x1;
	s10 =	sld [smem:$0x3FB8];
	_ =	sdelay $0x3  }
0x37: {  	[smem:$0x3FB8] =	sst s10  }
0x38: {  	s10 =	sld [smem:$0x3FB9]  }
0x39: {  	_ = 	snop;
	(pc) =	sbr.ind lr, $3  }
0x3a: {  	_ = 	snop  }
0x3b: {  	_ = 	snop  }
0x3c: {  	p2 =	seq.s32 s10, $0x1;
	s10 =	sld [smem:$0x3FB8]  }
0x3d: {  	_ =	shalt  }
0x3e: {  	_ =	shalt  }
0x3f: {  	_ =	shalt  }
0x40: {  	_ =	shalt  }
0x41: {  	_ =	shalt  }
0x42: {  	_ =	shalt  }
0x43: {  	_ =	shalt  }
0x44: {  	_ =	shalt  }
0x45: {  	_ =	shalt  }
0x46: {  	_ =	shalt  }
0x47: {  	_ =	shalt  }
0x48: {  	_ =	shalt  }
0x49: {  	_ =	shalt  }
0x4a: {  	_ =	shalt  }
0x4b: {  	_ =	shalt  }
0x4c: {  	_ =	shalt  }
0x4d: {  	_ =	shalt  }
0x4e: {  	_ =	shalt  }
0x4f: {  	_ =	shalt  }
0x50: {  	_ =	shalt  }
0x51: {  	_ =	shalt  }
0x52: {  	_ =	shalt  }
0x53: {  	_ =	shalt  }
0x54: {  	_ =	shalt  }
0x55: {  	_ =	shalt  }
0x56: {  	_ =	shalt  }
0x57: {  	_ =	shalt  }
0x58: {  	_ =	shalt  }
0x59: {  	_ =	shalt  }
0x5a: {  	_ =	shalt  }
0x5b: {  	_ =	shalt  }
0x5c: {  	_ =	shalt  }
0x5d: {  	_ =	shalt  }
0x5e: {  	_ =	shalt  }
0x5f: {  	_ =	shalt  }
0x60: {  	_ =	shalt  }
0x61: {  	_ =	shalt  }
0x62: {  	_ =	shalt  }
0x63: {  	_ =	shalt  }
0x64: {  	_ =	shalt  }
0x65: {  	_ =	shalt  }
0x66: {  	_ =	shalt  }
0x67: {  	_ =	shalt  }
0x68: {  	_ =	shalt  }
0x69: {  	_ =	shalt  }
0x6a: {  	_ =	shalt  }
0x6b: {  	_ =	shalt  }
0x6c: {  	_ =	shalt  }
0x6d: {  	_ =	shalt  }
0x6e: {  	_ =	shalt  }
0x6f: {  	_ =	shalt  }
0x70: {  	_ =	shalt  }
0x71: {  	_ =	shalt  }
0x72: {  	_ =	shalt  }
0x73: {  	_ =	shalt  }
0x74: {  	_ =	shalt  }
0x75: {  	_ =	shalt  }
0x76: {  	_ =	shalt  }
0x77: {  	_ =	shalt  }
0x78: {  	_ =	shalt  }
0x79: {  	_ =	shalt  }
0x7a: {  	_ =	shalt  }
0x7b: {  	_ =	shalt  }
0x7c: {  	_ =	shalt  }
0x7d: {  	_ =	shalt  }
0x7e: {  	_ =	shalt  }
0x7f: {  	_ =	shalt  }
0x80: {  	_ =	shalt  }
0x81: {  	_ =	shalt  }
0x82: {  	_ =	shalt  }
0x83: {  	_ =	shalt  }
0x84: {  	_ =	shalt  }
0x85: {  	_ =	shalt  }
0x86: {  	_ =	shalt  }
0x87: {  	_ =	shalt  }
.Lfunc_end0:
.L_simem_size_0:
called_computation_lowered:
.L_overlay_start_0:
0x88: {  	s2 =	sld [smem:$0x3FD9]  }
0x89: {  	s3 =	sld [smem:$0x3FFE];
	_ =	sdelay $0x1  }
0x8a: {  	s1 =	srdreg.scid  }
0x8b: {  	s0 =	sand.u32 $0x1, s1  }
0x8c: {  	s16 =	sshll.u32 s0, $0xA;
	s2 =	sadd.s32 s3, s2  }
0x8d: {  	s2 =	sadd.s32 s2, s16  }
0x8e: {  	[smem:$0x3FC4] =	sst s2  }
0x8f: {  	_ = 	snop  }
0x90: {  	(tm) =	ssettm $0x1  }
0x91: {  	s17 =	sld [smem:$0x3FFB];
	_ =	sdelay $0x3  }
0x92: {  	_ =	strace s17  }
0x93: {  	s2 =	sld [smem:$0x3FFC];
	_ =	sdelay $0x3  }
0x94: {  	_ =	strace s2  }
0x95: {  	s2 =	sld [smem:$0x3FFD];
	_ =	sdelay $0x3  }
0x96: {  	_ =	strace s2  }
0x97: {  	_ =	strace $0x8FFFFFFF  }
0x98: {  	s18 =	sld [smem:$0x3FDB];
	_ =	sdelay $0x1  }
0x99: {  	s19 =	simm.s32 $_scs_section_size  }
0x9a: {  	s4 =	simm.s32 $_size__tile_overlayer_lowered;
	s5 =	simm.s32 $_tile_overlayer_lowered  }
0x9b: {  	s22 =	simm.s32 $0x1BFF;
	s21 =	sshll.u32 s5, $0x1;
	s2 =	sadd.s32 s19, s18  }
0x9c: {  	s6 =	simm.s32 $0x0;
	s20 =	sshll.u32 s4, $0x1;
	s4 =	sadd.s32 s21, s2  }
0x9d: {  	[timem:s6], [sflag:s22] =	dma.local [hbm:s4], s20  }
0x9e: {  	_ =	swait.ge [sflag:s22], s20  }
0x9f: {  	s3 =	ssub.s32 $0x0, s20;
	[sflag:s22] =	ssyncset.done $0x0  }
0xa0: {  	[sflag:s22] =	ssyncadd.s32 s3;
	_ =	sdelay $0x1  }
0xa1: {  	s23 =	simm.s32 $0x1B8B  }
0xa2: {  	_ =	swait.ge [sflag:s23], $0x1  }
0xa3: {  	[sflag:s23] =	ssyncset.done $0x0  }
0xa4: {  	s25 =	simm.s32 $0x1B8E;
	s24 =	sld [smem:$0x3FFE];
	[sflag:s23] =	ssyncadd.s32 $0xFFFFFFFF  }
0xa5: {  	s26 =	simm.s32 $execute0_lowered;
	[smem:$0x3FD2] =	sst s25  }
0xa6: {  	s4 =	sshll.u32 s26, $0x1;
	_ =	strace $0x80000046;
	[dreg:$0x1] =	wrdreg $0xFFFFFFFF  }
0xa7: {  	s28 =	simm.s32 $_size_execute0_lowered;
	s2 =	sadd.s32 s2, s4;
	[dreg:$0x0] =	wrdreg $0x0  }
0xa8: {  	s4 =	sshll.u32 s28, $0x1;
	[dreg:$0x2] =	wrdreg s2  }
0xa9: {  	[dreg:$0x3] =	wrdreg s4  }
0xaa: {  	[dreg:$0x4] =	wrdreg $0xC0  }
0xab: {  	_ =	task [dreg:s6], $0x5FFFF  }
0xac: {  	[dreg:$0x1] =	wrdreg $0xFFFFFFFF  }
0xad: {  	[dreg:$0x0] =	wrdreg $0x60  }
0xae: {  	[dreg:$0x2] =	wrdreg s24  }
0xaf: {  	[dreg:$0x3] =	wrdreg $0x9  }
0xb0: {  	_ =	task.clear_ibuf [dreg:s6], $0x4FFFF;
	_ =	strace $0x90000046  }
0xb1: {  	s29 =	simm.s32 $0x9;
	_ =	strace $0x80000048  }
0xb2: {  	_ =	swait.ge [sflag:s29], $0x1  }
0xb3: {  	[sflag:s29] =	ssyncadd.s32 $0xFFFFFFFF  }
0xb4: {  	_ =	strace $0x90000048  }
0xb5: {  	_ =	sfence  }
0xb6: {  	s30 =	sld [smem:$0x0];
	_ =	sdelay $0x2  }
0xb7: {  	s31 =	sshll.u32 s1, $0xD;
	s1 =	sshrl.u32 s1, $0x2  }
0xb8: {  	s3 =	sand.u32 $0x4000, s31;
	s1 =	sadd.s32 s1, s30  }
0xb9: {  	s0 =	sor.u32 s3, s0;
	s1 =	sshll.u32 s1, $0x11  }
0xba: {  	s0 =	sor.u32 s1, s0  }
0xbb: {  	s0 =	sadd.s32 $0x8F2B, s0  }
0xbc: {  	[sflag:s0] =	ssyncadd.remote.s32 $0x1  }
0xbd: {  	_ =	sfence.sel $0xFFFF  }
0xbe: {  	[dreg:$0x0] =	wrdreg $0xFFFFFFFF;
	(pc) =	sbr.abs _section_cstart, $3  }
0xbf: {  	[dreg:$0x1] =	wrdreg $0xFFFFFFFF  }
0xc0: {  	_ =	task.clear_ibuf [dreg:s6], $0x2FFFF;
	_ =	strace $0x9FFFFFFF  }
0xc1: {  	(tm) =	ssettm $0x7FFFFFFF  }
tec
execute0_lowered:
.L_overlay_start_1:
0x0: {  	(tag) =	ssettag $0x1  }
0x1: {  	s1 =	srdreg.scid  }
0x2: {  	s0 =	stileid.u32;
	s4 =	rddreg [dreg:$0x0];
	s2 =	simm.s32 $0x0  }
0x3: {  	s9 =	simm.s32 $0x8000;
	s10 =	simm.s32 $0x80;
	s11 =	simm.s32 $0xB200  }
0x4: {  	s12 =	simm.s32 $0x100;
	s13 =	simm.s32 $0xE400;
	s14 =	simm.s32 $0x180  }
0x5: {  	s15 =	simm.s32 $0x11600;
	s16 =	simm.s32 $0x14800;
	s17 =	simm.s32 $0x17A00  }
0x6: {  	s18 =	simm.s32 $0x1;
	s19 =	simm.s32 $0x2;
	s20 =	simm.s32 $0x3  }
0x7: {  	s21 =	simm.s32 $0x1AC00;
	s3 =	sand.u32 $0x1, s1;
	s1 =	rddreg [dreg:$0x1]  }
0x8: {  	s22 =	simm.s32 $0x0;
	s5 =	sshll.u32 s0, $0x1;
	[smem:$0x7FF] =	sst s2  }
0x9: {  	s5 =	sor.u32 s3, s5;
	_ =	strace $0x80000047;
	s7 =	ssub.s32 $0x2, s3  }
0xa: {  	s3 =	sadd.s32 $0x20A00, s4;
	s6 =	sshll.u32 s5, $0xC;
	s5 =	sshll.u32 s5, $0xB  }
0xb: {  	s8 =	sshrl.u32 s7, $0x1;
	s6 =	sadd.s32 s6, s4;
	s5 =	sadd.s32 s5, s4  }
0xc: {  	s7 =	ssub.s32 s7, s8;
	s8 =	simm.s32 $0x64;
	s4 =	sadd.s32 $0xA00, s6  }
0xd: {  	v0 =	vimm.f32 $0.0e+00;
	s5 =	sadd.s32 $0x1A7400, s5;
	s6 =	smax.u32 s7, $0x1;
	s7 =	simm.s32 $0x4  }
.LBB2_1:
0xe: {  	[tilespmem:s2], [sflag:$0x4] =	stream.linear.gather [hbm4b:s4+s2], $0x8000, $0x38;
	[tilespmem:$0x1EC00] =	vst v63  }
0xf: {  	_ =	swait.ge [sflag:s7], $0x8000  }
0x10: {  	[sflag:s7] =	ssyncset.done $0x0  }
0x11: {  	s23 =	simm.s32 $0xFFFF0200;
	s24 =	simm.s32 $0xFFFFC000;
	[sflag:s7] =	ssyncadd.s32 $0xFFFF8000  }
.LBB2_2:
0x12: {  	p0 =	sne.s32 s23, $0xFFFFFE00;
	[tilespmem:s24+$0x1EC60] =	vst v0;
	s25 =	smov.u32 s23;
	s23 =	sadd.s32 $0x200, s23  }
.Ltmp0:
0x13: {  	[tilespmem:s24+$0x1EC70] =	vst v0;
	(pc) =	sbr.rel @p0 .LBB2_2-.Ltmp0, $2  }
0x14: {  	_ =	sdelay $0x2  }
0x15: {  	s24 =	sshra.s32 s25, $0x2  }
0x16: {  	[tilespmem:s24+$0x1EC60] =	vst v0  }
0x17: {  	[tilespmem:s24+$0x1EC70] =	vst v0;
	s23 =	simm.s32 $0x0  }
0x18: {  	[tilespmem:s9], [sflag:$0x1] =	stream.indirect.gather [hbm4b:s3+s8], $0x80, s23, s8, $0xb8;
	[tilespmem:$0x1EC00] =	vst v63  }
0x19: {  	_ = 	snop  }
0x1a: {  	[tilespmem:s11], [sflag:$0x1] =	stream.indirect.gather [hbm4b:s3+s8], $0x80, s10, s8, $0xb8;
	[tilespmem:$0x1EC00] =	vst v63  }
0x1b: {  	_ = 	snop  }
0x1c: {  	[tilespmem:s13], [sflag:$0x2] =	stream.indirect.gather [hbm4b:s3+s8], $0x80, s12, s8, $0xb8;
	[tilespmem:$0x1EC00] =	vst v63  }
0x1d: {  	_ = 	snop  }
0x1e: {  	[tilespmem:s15], [sflag:$0x2] =	stream.indirect.gather [hbm4b:s3+s8], $0x80, s14, s8, $0xb8;
	[tilespmem:$0x1EC00] =	vst v63  }
.LBB2_4:
0x1f: {  	s24 =	smul.u32 $0x3, s23;
	_ =	sdelay $0x1  }
0x20: {  	s24 =	sadd.s32 $0x2, s24  }
0x21: {  	s25 =	sshll.u32 s24, $0x8  }
0x22: {  	s25 =	sand.u32 $0x3FFFFF00, s25  }
0x23: {  	[tilespmem:s16], [sflag:$0x3] =	stream.indirect.gather [hbm4b:s3+s8], $0x80, s25, s8, $0xb8;
	[tilespmem:$0x1EC00] =	vst v63  }
0x24: {  	s25 =	sor.u32 $0x80, s25  }
0x25: {  	[tilespmem:s17], [sflag:$0x3] =	stream.indirect.gather [hbm4b:s3+s8], $0x80, s25, s8, $0xb8;
	[tilespmem:$0x1EC00] =	vst v63  }
0x26: {  	_ =	swait.ge [sflag:s18], $0x3200  }
0x27: {  	[sflag:s18] =	ssyncset.done $0x0  }
0x28: {  	[sflag:s18] =	ssyncadd.s32 $0xFFFFCE00  }
0x29: {  	_ =	swait.ge [sflag:s18], $0x3200  }
0x2a: {  	[sflag:s18] =	ssyncset.done $0x0  }
0x2b: {  	s25 =	simm.s32 $0x0;
	[sflag:s18] =	ssyncadd.s32 $0xFFFFCE00  }
0x2c: {  	v4 =	vld [tilespmem:s25+$0x8180]  }
0x2d: {  	v5 =	vld [tilespmem:s25+$0x8190]  }
0x2e: {  	v7 =	vld [tilespmem:s25+$0x81A0]  }
0x2f: {  	v2 =	vld [tilespmem:s25+$0x81B0]  }
0x30: {  	v1 =	vld [tilespmem:s25+$0x81C0]  }
0x31: {  	v16 =	vld [tilespmem:s25+$0x8100]  }
0x32: {  	v12 =	vld [tilespmem:s25+$0x8110]  }
0x33: {  	v13 =	vld [tilespmem:s25+$0x8120]  }
0x34: {  	v3 =	vld [tilespmem:s25+$0x8130]  }
0x35: {  	v9 =	vld [tilespmem:s25+$0x8080]  }
0x36: {  	v10 =	vld [tilespmem:s25+$0x8000]  }
0x37: {  	v11 =	vld [tilespmem:s25+$0x8010]  }
0x38: {  	v17 =	vld [tilespmem:s25+$0x8020]  }
0x39: {  	v19 =	vld [tilespmem:s25+$0x8090]  }
0x3a: {  	v20 =	vld [tilespmem:s25+$0x80A0]  }
0x3b: {  	v8 =	vimm.f32 $0.0e+00;
	v6 =	vld [tilespmem:s25+$0x8140]  }
0x3c: {  	v14 =	vld [tilespmem:s25+$0x80B0];
	v10 =	vadd.f32 v10, v8  }
0x3d: {  	v15 =	vld [tilespmem:s25+$0x80C0];
	v11 =	vadd.f32 v11, v8;
	v23 =	vadd.f32 v17, v8  }
0x3e: {  	v18 =	vld [tilespmem:s25+$0x8040];
	v21 =	vadd.f32 v9, v10  }
0x3f: {  	v17 =	vld [tilespmem:s25+$0x8030];
	v22 =	vadd.f32 v19, v11;
	v20 =	vadd.f32 v20, v23  }
0x40: {  	s26 =	simm.s32 $0x800;
	v19 =	vld [tilespmem:s25+$0x8050];
	v11 =	vimm.f32 $0.0e+00;
	v10 =	vimm.f32 $0.0e+00;
	v9 =	vimm.f32 $0.0e+00  }
.LBB2_5:
0x41: {  	p0 =	sne.s32 s26, $0x18800;
	v23 =	vld [tilespmem:s25+$0x8054];
	v16 =	vadd.f32 v16, v21  }
0x42: {  	v21 =	vld [tilespmem:s25+$0x80D0];
	v12 =	vadd.f32 v12, v22;
	v13 =	vadd.f32 v13, v20  }
0x43: {  	v20 =	vld [tilespmem:s25+$0x80D4];
	v22 =	vadd.f32 v4, v16  }
0x44: {  	v16 =	vld [tilespmem:s25+$0x8150];
	v24 =	vadd.f32 v5, v12;
	v25 =	vadd.f32 v7, v13  }
0x45: {  	v4 =	vadd.f32 v17, v8;
	v5 =	vadd.f32 v18, v11;
	v8 =	vld [tilespmem:s25+$0x8154]  }
0x46: {  	v7 =	vadd.f32 v19, v10;
	v9 =	vadd.f32 v23, v9;
	v10 =	vld [tilespmem:s25+$0x81D0]  }
0x47: {  	v11 =	vadd.f32 v14, v4;
	v12 =	vadd.f32 v15, v5;
	v13 =	vld [tilespmem:s25+$0x81D4];
	s25 =	sshra.s32 s26, $0x2  }
0x48: {  	v14 =	vadd.f32 v21, v7;
	v4 =	vld [tilespmem:s25+$0x8180];
	v9 =	vadd.f32 v20, v9  }
0x49: {  	v3 =	vadd.f32 v3, v11;
	v6 =	vadd.f32 v6, v12;
	v5 =	vld [tilespmem:s25+$0x8190]  }
0x4a: {  	v12 =	vadd.f32 v16, v14;
	v7 =	vld [tilespmem:s25+$0x81A0];
	v9 =	vadd.f32 v8, v9  }
0x4b: {  	v8 =	vadd.f32 v2, v3;
	v11 =	vadd.f32 v1, v6;
	v2 =	vld [tilespmem:s25+$0x81B0]  }
0x4c: {  	v10 =	vadd.f32 v10, v12;
	v1 =	vld [tilespmem:s25+$0x81C0];
	v9 =	vadd.f32 v13, v9  }
0x4d: {  	v16 =	vld [tilespmem:s25+$0x8100]  }
0x4e: {  	v12 =	vld [tilespmem:s25+$0x8110]  }
0x4f: {  	v13 =	vld [tilespmem:s25+$0x8120]  }
0x50: {  	v3 =	vld [tilespmem:s25+$0x8130]  }
0x51: {  	v6 =	vld [tilespmem:s25+$0x8140]  }
0x52: {  	v19 =	vld [tilespmem:s25+$0x8080]  }
0x53: {  	v15 =	vld [tilespmem:s25+$0x8000]  }
0x54: {  	v17 =	vld [tilespmem:s25+$0x8010]  }
0x55: {  	v18 =	vld [tilespmem:s25+$0x8020]  }
0x56: {  	v20 =	vld [tilespmem:s25+$0x8090]  }
0x57: {  	v23 =	vld [tilespmem:s25+$0x80A0]  }
.Ltmp1:
0x58: {  	v14 =	vld [tilespmem:s25+$0x80B0];
	(pc) =	sbr.rel @p0 .LBB2_5-.Ltmp1, $4  }
0x59: {  	v21 =	vadd.f32 v15, v22;
	v15 =	vld [tilespmem:s25+$0x80C0]  }
0x5a: {  	v22 =	vadd.f32 v17, v24;
	v24 =	vadd.f32 v18, v25;
	v17 =	vld [tilespmem:s25+$0x8030]  }
0x5b: {  	v21 =	vadd.f32 v19, v21;
	v18 =	vld [tilespmem:s25+$0x8040]  }
0x5c: {  	s26 =	sadd.s32 $0x800, s26;
	v22 =	vadd.f32 v20, v22;
	v19 =	vld [tilespmem:s25+$0x8050];
	v20 =	vadd.f32 v23, v24  }
0x5d: {  	v16 =	vadd.f32 v16, v21  }
0x5e: {  	v21 =	vld [tilespmem:s25+$0x8054];
	v12 =	vadd.f32 v12, v22  }
0x5f: {  	v22 =	vld [tilespmem:s25+$0x80D0];
	v13 =	vadd.f32 v13, v20;
	v4 =	vadd.f32 v4, v16  }
0x60: {  	v16 =	vld [tilespmem:s25+$0x80D4];
	v8 =	vadd.f32 v17, v8;
	v5 =	vadd.f32 v5, v12  }
0x61: {  	v12 =	vld [tilespmem:s25+$0x8150];
	v7 =	vadd.f32 v7, v13;
	v11 =	vadd.f32 v18, v11  }
0x62: {  	s26 =	smul.u32 $0x600, s23;
	v13 =	vld [tilespmem:s25+$0x8154];
	v10 =	vadd.f32 v19, v10;
	v8 =	vadd.f32 v14, v8  }
0x63: {  	v14 =	vld [tilespmem:s25+$0x81D0];
	v9 =	vadd.f32 v21, v9;
	v11 =	vadd.f32 v15, v11  }
0x64: {  	v15 =	vld [tilespmem:s25+$0x81D4];
	s25 =	sshra.s32 s26, $0x2;
	v10 =	vadd.f32 v22, v10;
	v3 =	vadd.f32 v3, v8  }
0x65: {  	[tilespmem:s25+$0x1AC00] =	vst v4;
	v8 =	vadd.f32 v16, v9;
	v6 =	vadd.f32 v6, v11  }
0x66: {  	[tilespmem:s25+$0x1AC10] =	vst v5;
	v4 =	vadd.f32 v12, v10;
	v2 =	vadd.f32 v2, v3  }
0x67: {  	[tilespmem:s25+$0x1AC20] =	vst v7;
	v3 =	vadd.f32 v13, v8;
	v1 =	vadd.f32 v1, v6  }
0x68: {  	s31 =	smul.u32 $0xC00, s23;
	v4 =	vadd.f32 v14, v4;
	[tilespmem:s25+$0x1AC30] =	vst v2  }
0x69: {  	v2 =	vadd.f32 v15, v3;
	[tilespmem:s25+$0x1AC40] =	vst v1  }
0x6a: {  	s26 =	sshra.s32 s31, $0x2;
	[tilespmem:s25+$0x1AC50] =	vst v4  }
0x6b: {  	s28 =	sadd.s32 $0x300, s26;
	[tilespmem:s25+$0x1AC54] =	vst v2  }
0x6c: {  	[tilespmem:s9], [sflag:$0x1] =	stream.indirect.gather [hbm4b:s3+s8], $0x80, s28, s8, $0xb8;
	[tilespmem:$0x1EC00] =	vst v63  }
0x6d: {  	s28 =	sadd.s32 $0x380, s26  }
0x6e: {  	[tilespmem:s11], [sflag:$0x1] =	stream.indirect.gather [hbm4b:s3+s8], $0x80, s28, s8, $0xb8;
	[tilespmem:$0x1EC00] =	vst v63  }
0x6f: {  	_ =	swait.ge [sflag:s19], $0x3200  }
0x70: {  	[sflag:s19] =	ssyncset.done $0x0  }
0x71: {  	[sflag:s19] =	ssyncadd.s32 $0xFFFFCE00  }
0x72: {  	_ =	swait.ge [sflag:s19], $0x3200  }
0x73: {  	[sflag:s19] =	ssyncset.done $0x0  }
0x74: {  	s28 =	simm.s32 $0x0;
	[sflag:s19] =	ssyncadd.s32 $0xFFFFCE00  }
0x75: {  	v4 =	vld [tilespmem:s28+$0xE580]  }
0x76: {  	v5 =	vld [tilespmem:s28+$0xE590]  }
0x77: {  	v6 =	vld [tilespmem:s28+$0xE5A0]  }
0x78: {  	v2 =	vld [tilespmem:s28+$0xE5B0]  }
0x79: {  	v1 =	vld [tilespmem:s28+$0xE5C0]  }
0x7a: {  	v15 =	vld [tilespmem:s28+$0xE500]  }
0x7b: {  	v12 =	vld [tilespmem:s28+$0xE510]  }
0x7c: {  	v13 =	vld [tilespmem:s28+$0xE520]  }
0x7d: {  	v3 =	vld [tilespmem:s28+$0xE530]  }
0x7e: {  	v9 =	vld [tilespmem:s28+$0xE480]  }
0x7f: {  	v10 =	vld [tilespmem:s28+$0xE400]  }
0x80: {  	v11 =	vld [tilespmem:s28+$0xE410]  }
0x81: {  	v17 =	vld [tilespmem:s28+$0xE420]  }
0x82: {  	v19 =	vld [tilespmem:s28+$0xE490]  }
0x83: {  	v20 =	vld [tilespmem:s28+$0xE4A0]  }
0x84: {  	v8 =	vimm.f32 $0.0e+00;
	v7 =	vld [tilespmem:s28+$0xE540]  }
0x85: {  	v14 =	vld [tilespmem:s28+$0xE4B0];
	v10 =	vadd.f32 v10, v8  }
0x86: {  	v16 =	vld [tilespmem:s28+$0xE4C0];
	v11 =	vadd.f32 v11, v8;
	v23 =	vadd.f32 v17, v8  }
0x87: {  	v18 =	vld [tilespmem:s28+$0xE440];
	v21 =	vadd.f32 v9, v10  }
0x88: {  	v17 =	vld [tilespmem:s28+$0xE430];
	v22 =	vadd.f32 v19, v11;
	v20 =	vadd.f32 v20, v23  }
0x89: {  	s29 =	simm.s32 $0x800;
	v19 =	vld [tilespmem:s28+$0xE450];
	v11 =	vimm.f32 $0.0e+00;
	v10 =	vimm.f32 $0.0e+00;
	v9 =	vimm.f32 $0.0e+00  }
.LBB2_7:
0x8a: {  	p0 =	sne.s32 s29, $0x18800;
	v23 =	vld [tilespmem:s28+$0xE454];
	v15 =	vadd.f32 v15, v21  }
0x8b: {  	v21 =	vld [tilespmem:s28+$0xE4D0];
	v12 =	vadd.f32 v12, v22;
	v13 =	vadd.f32 v13, v20  }
0x8c: {  	v20 =	vld [tilespmem:s28+$0xE4D4];
	v22 =	vadd.f32 v4, v15  }
0x8d: {  	v15 =	vld [tilespmem:s28+$0xE550];
	v24 =	vadd.f32 v5, v12;
	v25 =	vadd.f32 v6, v13  }
0x8e: {  	v4 =	vadd.f32 v17, v8;
	v5 =	vadd.f32 v18, v11;
	v8 =	vld [tilespmem:s28+$0xE554]  }
0x8f: {  	v6 =	vadd.f32 v19, v10;
	v9 =	vadd.f32 v23, v9;
	v10 =	vld [tilespmem:s28+$0xE5D0]  }
0x90: {  	v11 =	vadd.f32 v14, v4;
	v12 =	vadd.f32 v16, v5;
	v13 =	vld [tilespmem:s28+$0xE5D4];
	s28 =	sshra.s32 s29, $0x2  }
0x91: {  	v14 =	vadd.f32 v21, v6;
	v4 =	vld [tilespmem:s28+$0xE580];
	v9 =	vadd.f32 v20, v9  }
0x92: {  	v3 =	vadd.f32 v3, v11;
	v7 =	vadd.f32 v7, v12;
	v5 =	vld [tilespmem:s28+$0xE590]  }
0x93: {  	v12 =	vadd.f32 v15, v14;
	v6 =	vld [tilespmem:s28+$0xE5A0];
	v9 =	vadd.f32 v8, v9  }
0x94: {  	v8 =	vadd.f32 v2, v3;
	v11 =	vadd.f32 v1, v7;
	v2 =	vld [tilespmem:s28+$0xE5B0]  }
0x95: {  	v10 =	vadd.f32 v10, v12;
	v1 =	vld [tilespmem:s28+$0xE5C0];
	v9 =	vadd.f32 v13, v9  }
0x96: {  	v15 =	vld [tilespmem:s28+$0xE500]  }
0x97: {  	v12 =	vld [tilespmem:s28+$0xE510]  }
0x98: {  	v13 =	vld [tilespmem:s28+$0xE520]  }
0x99: {  	v3 =	vld [tilespmem:s28+$0xE530]  }
0x9a: {  	v7 =	vld [tilespmem:s28+$0xE540]  }
0x9b: {  	v19 =	vld [tilespmem:s28+$0xE480]  }
0x9c: {  	v16 =	vld [tilespmem:s28+$0xE400]  }
0x9d: {  	v17 =	vld [tilespmem:s28+$0xE410]  }
0x9e: {  	v18 =	vld [tilespmem:s28+$0xE420]  }
0x9f: {  	v20 =	vld [tilespmem:s28+$0xE490]  }
0xa0: {  	v23 =	vld [tilespmem:s28+$0xE4A0]  }
.Ltmp2:
0xa1: {  	v14 =	vld [tilespmem:s28+$0xE4B0];
	(pc) =	sbr.rel @p0 .LBB2_7-.Ltmp2, $4  }
0xa2: {  	v21 =	vadd.f32 v16, v22;
	v16 =	vld [tilespmem:s28+$0xE4C0]  }
0xa3: {  	v22 =	vadd.f32 v17, v24;
	v24 =	vadd.f32 v18, v25;
	v17 =	vld [tilespmem:s28+$0xE430]  }
0xa4: {  	v21 =	vadd.f32 v19, v21;
	v18 =	vld [tilespmem:s28+$0xE440]  }
0xa5: {  	s29 =	sadd.s32 $0x800, s29;
	v22 =	vadd.f32 v20, v22;
	v19 =	vld [tilespmem:s28+$0xE450];
	v20 =	vadd.f32 v23, v24  }
0xa6: {  	v15 =	vadd.f32 v15, v21  }
0xa7: {  	v21 =	vld [tilespmem:s28+$0xE454];
	v12 =	vadd.f32 v12, v22  }
0xa8: {  	v22 =	vld [tilespmem:s28+$0xE4D0];
	v13 =	vadd.f32 v13, v20;
	v4 =	vadd.f32 v4, v15  }
0xa9: {  	v15 =	vld [tilespmem:s28+$0xE4D4];
	v8 =	vadd.f32 v17, v8;
	v5 =	vadd.f32 v5, v12  }
0xaa: {  	v12 =	vld [tilespmem:s28+$0xE550];
	v6 =	vadd.f32 v6, v13;
	v11 =	vadd.f32 v18, v11  }
0xab: {  	v13 =	vld [tilespmem:s28+$0xE554];
	v10 =	vadd.f32 v19, v10;
	v8 =	vadd.f32 v14, v8  }
0xac: {  	v14 =	vld [tilespmem:s28+$0xE5D0];
	v9 =	vadd.f32 v21, v9;
	v11 =	vadd.f32 v16, v11  }
0xad: {  	v16 =	vld [tilespmem:s28+$0xE5D4];
	v10 =	vadd.f32 v22, v10;
	v3 =	vadd.f32 v3, v8  }
0xae: {  	[tilespmem:s25+$0x1AC80] =	vst v4;
	v8 =	vadd.f32 v15, v9;
	v7 =	vadd.f32 v7, v11  }
0xaf: {  	[tilespmem:s25+$0x1AC90] =	vst v5;
	v4 =	vadd.f32 v12, v10;
	v2 =	vadd.f32 v2, v3  }
0xb0: {  	[tilespmem:s25+$0x1ACA0] =	vst v6;
	v3 =	vadd.f32 v13, v8;
	v1 =	vadd.f32 v1, v7  }
0xb1: {  	v4 =	vadd.f32 v14, v4;
	[tilespmem:s25+$0x1ACB0] =	vst v2  }
0xb2: {  	v2 =	vadd.f32 v16, v3;
	[tilespmem:s25+$0x1ACC0] =	vst v1  }
0xb3: {  	[tilespmem:s25+$0x1ACD0] =	vst v4  }
0xb4: {  	s30 =	sadd.s32 $0x400, s26;
	[tilespmem:s25+$0x1ACD4] =	vst v2  }
0xb5: {  	[tilespmem:s13], [sflag:$0x2] =	stream.indirect.gather [hbm4b:s3+s8], $0x80, s30, s8, $0xb8;
	[tilespmem:$0x1EC00] =	vst v63  }
0xb6: {  	s31 =	sadd.s32 $0x480, s26  }
0xb7: {  	[tilespmem:s15], [sflag:$0x2] =	stream.indirect.gather [hbm4b:s3+s8], $0x80, s31, s8, $0xb8;
	[tilespmem:$0x1EC00] =	vst v63  }
0xb8: {  	_ =	swait.ge [sflag:s20], $0x3200  }
0xb9: {  	[sflag:s20] =	ssyncset.done $0x0  }
0xba: {  	[sflag:s20] =	ssyncadd.s32 $0xFFFFCE00  }
0xbb: {  	_ =	swait.ge [sflag:s20], $0x3200  }
0xbc: {  	[sflag:s20] =	ssyncset.done $0x0  }
0xbd: {  	s25 =	simm.s32 $0x0;
	[sflag:s20] =	ssyncadd.s32 $0xFFFFCE00  }
0xbe: {  	v4 =	vld [tilespmem:s25+$0x14980]  }
0xbf: {  	v5 =	vld [tilespmem:s25+$0x14990]  }
0xc0: {  	v7 =	vld [tilespmem:s25+$0x149A0]  }
0xc1: {  	v2 =	vld [tilespmem:s25+$0x149B0]  }
0xc2: {  	v1 =	vld [tilespmem:s25+$0x149C0]  }
0xc3: {  	v15 =	vld [tilespmem:s25+$0x14900]  }
0xc4: {  	v12 =	vld [tilespmem:s25+$0x14910]  }
0xc5: {  	v13 =	vld [tilespmem:s25+$0x14920]  }
0xc6: {  	v3 =	vld [tilespmem:s25+$0x14930]  }
0xc7: {  	v9 =	vld [tilespmem:s25+$0x14880]  }
0xc8: {  	v10 =	vld [tilespmem:s25+$0x14800]  }
0xc9: {  	v11 =	vld [tilespmem:s25+$0x14810]  }
0xca: {  	v17 =	vld [tilespmem:s25+$0x14820]  }
0xcb: {  	v19 =	vld [tilespmem:s25+$0x14890]  }
0xcc: {  	v20 =	vld [tilespmem:s25+$0x148A0]  }
0xcd: {  	v8 =	vimm.f32 $0.0e+00;
	v6 =	vld [tilespmem:s25+$0x14940]  }
0xce: {  	v14 =	vld [tilespmem:s25+$0x148B0];
	v10 =	vadd.f32 v10, v8  }
0xcf: {  	v16 =	vld [tilespmem:s25+$0x148C0];
	v11 =	vadd.f32 v11, v8;
	v23 =	vadd.f32 v17, v8  }
0xd0: {  	v18 =	vld [tilespmem:s25+$0x14840];
	v21 =	vadd.f32 v9, v10  }
0xd1: {  	v17 =	vld [tilespmem:s25+$0x14830];
	v22 =	vadd.f32 v19, v11;
	v20 =	vadd.f32 v20, v23  }
0xd2: {  	s26 =	simm.s32 $0x800;
	v19 =	vld [tilespmem:s25+$0x14850];
	v11 =	vimm.f32 $0.0e+00;
	v10 =	vimm.f32 $0.0e+00;
	v9 =	vimm.f32 $0.0e+00  }
.LBB2_9:
0xd3: {  	p0 =	sne.s32 s26, $0x18800;
	v23 =	vld [tilespmem:s25+$0x14854];
	v15 =	vadd.f32 v15, v21  }
0xd4: {  	v21 =	vld [tilespmem:s25+$0x148D0];
	v12 =	vadd.f32 v12, v22;
	v13 =	vadd.f32 v13, v20  }
0xd5: {  	v20 =	vld [tilespmem:s25+$0x148D4];
	v22 =	vadd.f32 v4, v15  }
0xd6: {  	v15 =	vld [tilespmem:s25+$0x14950];
	v24 =	vadd.f32 v5, v12;
	v25 =	vadd.f32 v7, v13  }
0xd7: {  	v4 =	vadd.f32 v17, v8;
	v5 =	vadd.f32 v18, v11;
	v8 =	vld [tilespmem:s25+$0x14954]  }
0xd8: {  	v7 =	vadd.f32 v19, v10;
	v9 =	vadd.f32 v23, v9;
	v10 =	vld [tilespmem:s25+$0x149D0]  }
0xd9: {  	v11 =	vadd.f32 v14, v4;
	v12 =	vadd.f32 v16, v5;
	v13 =	vld [tilespmem:s25+$0x149D4];
	s25 =	sshra.s32 s26, $0x2  }
0xda: {  	v14 =	vadd.f32 v21, v7;
	v4 =	vld [tilespmem:s25+$0x14980];
	v9 =	vadd.f32 v20, v9  }
0xdb: {  	v3 =	vadd.f32 v3, v11;
	v6 =	vadd.f32 v6, v12;
	v5 =	vld [tilespmem:s25+$0x14990]  }
0xdc: {  	v12 =	vadd.f32 v15, v14;
	v7 =	vld [tilespmem:s25+$0x149A0];
	v9 =	vadd.f32 v8, v9  }
0xdd: {  	v8 =	vadd.f32 v2, v3;
	v11 =	vadd.f32 v1, v6;
	v2 =	vld [tilespmem:s25+$0x149B0]  }
0xde: {  	v10 =	vadd.f32 v10, v12;
	v1 =	vld [tilespmem:s25+$0x149C0];
	v9 =	vadd.f32 v13, v9  }
0xdf: {  	v15 =	vld [tilespmem:s25+$0x14900]  }
0xe0: {  	v12 =	vld [tilespmem:s25+$0x14910]  }
0xe1: {  	v13 =	vld [tilespmem:s25+$0x14920]  }
0xe2: {  	v3 =	vld [tilespmem:s25+$0x14930]  }
0xe3: {  	v6 =	vld [tilespmem:s25+$0x14940]  }
0xe4: {  	v19 =	vld [tilespmem:s25+$0x14880]  }
0xe5: {  	v16 =	vld [tilespmem:s25+$0x14800]  }
0xe6: {  	v17 =	vld [tilespmem:s25+$0x14810]  }
0xe7: {  	v18 =	vld [tilespmem:s25+$0x14820]  }
0xe8: {  	v20 =	vld [tilespmem:s25+$0x14890]  }
0xe9: {  	v23 =	vld [tilespmem:s25+$0x148A0]  }
.Ltmp3:
0xea: {  	v14 =	vld [tilespmem:s25+$0x148B0];
	(pc) =	sbr.rel @p0 .LBB2_9-.Ltmp3, $4  }
0xeb: {  	v21 =	vadd.f32 v16, v22;
	v16 =	vld [tilespmem:s25+$0x148C0]  }
0xec: {  	v22 =	vadd.f32 v17, v24;
	v24 =	vadd.f32 v18, v25;
	v17 =	vld [tilespmem:s25+$0x14830]  }
0xed: {  	v21 =	vadd.f32 v19, v21;
	v18 =	vld [tilespmem:s25+$0x14840]  }
0xee: {  	s26 =	sadd.s32 $0x800, s26;
	v22 =	vadd.f32 v20, v22;
	v19 =	vld [tilespmem:s25+$0x14850];
	v20 =	vadd.f32 v23, v24  }
0xef: {  	v15 =	vadd.f32 v15, v21  }
0xf0: {  	v55 =	vld [tilespmem:s25+$0x14854];
	v12 =	vadd.f32 v12, v22  }
0xf1: {  	v56 =	vld [tilespmem:s25+$0x148D0];
	v13 =	vadd.f32 v13, v20;
	v4 =	vadd.f32 v4, v15  }
0xf2: {  	v57 =	vld [tilespmem:s25+$0x148D4];
	v8 =	vadd.f32 v17, v8;
	v5 =	vadd.f32 v5, v12  }
0xf3: {  	v58 =	vld [tilespmem:s25+$0x14950];
	v7 =	vadd.f32 v7, v13;
	v11 =	vadd.f32 v18, v11  }
0xf4: {  	v59 =	vld [tilespmem:s25+$0x14954];
	v10 =	vadd.f32 v19, v10;
	v8 =	vadd.f32 v14, v8  }
0xf5: {  	v60 =	vld [tilespmem:s25+$0x149D0];
	s24 =	sshll.u32 s24, $0x7;
	v9 =	vadd.f32 v55, v9;
	v11 =	vadd.f32 v16, v11  }
0xf6: {  	v61 =	vld [tilespmem:s25+$0x149D4];
	s24 =	sand.u32 $0x3FFFFF80, s24;
	v10 =	vadd.f32 v56, v10;
	v3 =	vadd.f32 v3, v8  }
0xf7: {  	s23 =	sadd.s32 $0x1, s23;
	[tilespmem:s24+$0x1AC00] =	vst v4;
	v62 =	vadd.f32 v57, v9;
	v6 =	vadd.f32 v6, v11  }
0xf8: {  	p0 =	sne.s32 s23, $0x2A;
	[tilespmem:s24+$0x1AC10] =	vst v5;
	v63 =	vadd.f32 v58, v10;
	v2 =	vadd.f32 v2, v3  }
.Ltmp4:
0xf9: {  	[tilespmem:s24+$0x1AC20] =	vst v7;
	v3 =	vadd.f32 v59, v62;
	v1 =	vadd.f32 v1, v6;
	(pc) =	sbr.rel @p0 .LBB2_4-.Ltmp4, $4  }
0xfa: {  	v4 =	vadd.f32 v60, v63;
	[tilespmem:s24+$0x1AC30] =	vst v2  }
0xfb: {  	v2 =	vadd.f32 v61, v3;
	[tilespmem:s24+$0x1AC40] =	vst v1  }
0xfc: {  	[tilespmem:s24+$0x1AC50] =	vst v4  }
0xfd: {  	[tilespmem:s24+$0x1AC54] =	vst v2  }
0xfe: {  	_ =	swait.ge [sflag:s18], $0x3200  }
0xff: {  	[sflag:s18] =	ssyncset.done $0x0  }
0x100: {  	[sflag:s18] =	ssyncadd.s32 $0xFFFFCE00  }
0x101: {  	_ =	swait.ge [sflag:s18], $0x3200  }
0x102: {  	[sflag:s18] =	ssyncset.done $0x0  }
0x103: {  	s23 =	simm.s32 $0x0;
	[sflag:s18] =	ssyncadd.s32 $0xFFFFCE00  }
0x104: {  	v4 =	vld [tilespmem:s23+$0x8180]  }
0x105: {  	v5 =	vld [tilespmem:s23+$0x8190]  }
0x106: {  	v6 =	vld [tilespmem:s23+$0x81A0]  }
0x107: {  	v2 =	vld [tilespmem:s23+$0x81B0]  }
0x108: {  	v1 =	vld [tilespmem:s23+$0x81C0]  }
0x109: {  	v15 =	vld [tilespmem:s23+$0x8100]  }
0x10a: {  	v12 =	vld [tilespmem:s23+$0x8110]  }
0x10b: {  	v13 =	vld [tilespmem:s23+$0x8120]  }
0x10c: {  	v3 =	vld [tilespmem:s23+$0x8130]  }
0x10d: {  	v9 =	vld [tilespmem:s23+$0x8080]  }
0x10e: {  	v10 =	vld [tilespmem:s23+$0x8000]  }
0x10f: {  	v11 =	vld [tilespmem:s23+$0x8010]  }
0x110: {  	v17 =	vld [tilespmem:s23+$0x8020]  }
0x111: {  	v19 =	vld [tilespmem:s23+$0x8090]  }
0x112: {  	v20 =	vld [tilespmem:s23+$0x80A0]  }
0x113: {  	v8 =	vimm.f32 $0.0e+00;
	v7 =	vld [tilespmem:s23+$0x8140]  }
0x114: {  	v14 =	vld [tilespmem:s23+$0x80B0];
	v10 =	vadd.f32 v10, v8  }
0x115: {  	v16 =	vld [tilespmem:s23+$0x80C0];
	v11 =	vadd.f32 v11, v8;
	v23 =	vadd.f32 v17, v8  }
0x116: {  	v18 =	vld [tilespmem:s23+$0x8040];
	v21 =	vadd.f32 v9, v10  }
0x117: {  	v17 =	vld [tilespmem:s23+$0x8030];
	v22 =	vadd.f32 v19, v11;
	v20 =	vadd.f32 v20, v23  }
0x118: {  	s24 =	simm.s32 $0x800;
	v19 =	vld [tilespmem:s23+$0x8050];
	v11 =	vimm.f32 $0.0e+00;
	v10 =	vimm.f32 $0.0e+00;
	v9 =	vimm.f32 $0.0e+00  }
.LBB2_12:
0x119: {  	p0 =	sne.s32 s24, $0x18800;
	v23 =	vld [tilespmem:s23+$0x8054];
	v15 =	vadd.f32 v15, v21  }
0x11a: {  	v21 =	vld [tilespmem:s23+$0x80D0];
	v12 =	vadd.f32 v12, v22;
	v13 =	vadd.f32 v13, v20  }
0x11b: {  	v20 =	vld [tilespmem:s23+$0x80D4];
	v22 =	vadd.f32 v4, v15  }
0x11c: {  	v15 =	vld [tilespmem:s23+$0x8150];
	v24 =	vadd.f32 v5, v12;
	v25 =	vadd.f32 v6, v13  }
0x11d: {  	v4 =	vadd.f32 v17, v8;
	v5 =	vadd.f32 v18, v11;
	v8 =	vld [tilespmem:s23+$0x8154]  }
0x11e: {  	v6 =	vadd.f32 v19, v10;
	v9 =	vadd.f32 v23, v9;
	v10 =	vld [tilespmem:s23+$0x81D0]  }
0x11f: {  	v11 =	vadd.f32 v14, v4;
	v12 =	vadd.f32 v16, v5;
	v13 =	vld [tilespmem:s23+$0x81D4];
	s23 =	sshra.s32 s24, $0x2  }
0x120: {  	v14 =	vadd.f32 v21, v6;
	v4 =	vld [tilespmem:s23+$0x8180];
	v9 =	vadd.f32 v20, v9  }
0x121: {  	v3 =	vadd.f32 v3, v11;
	v7 =	vadd.f32 v7, v12;
	v5 =	vld [tilespmem:s23+$0x8190]  }
0x122: {  	v12 =	vadd.f32 v15, v14;
	v6 =	vld [tilespmem:s23+$0x81A0];
	v9 =	vadd.f32 v8, v9  }
0x123: {  	v8 =	vadd.f32 v2, v3;
	v11 =	vadd.f32 v1, v7;
	v2 =	vld [tilespmem:s23+$0x81B0]  }
0x124: {  	v10 =	vadd.f32 v10, v12;
	v1 =	vld [tilespmem:s23+$0x81C0];
	v9 =	vadd.f32 v13, v9  }
0x125: {  	v15 =	vld [tilespmem:s23+$0x8100]  }
0x126: {  	v12 =	vld [tilespmem:s23+$0x8110]  }
0x127: {  	v13 =	vld [tilespmem:s23+$0x8120]  }
0x128: {  	v3 =	vld [tilespmem:s23+$0x8130]  }
0x129: {  	v7 =	vld [tilespmem:s23+$0x8140]  }
0x12a: {  	v19 =	vld [tilespmem:s23+$0x8080]  }
0x12b: {  	v16 =	vld [tilespmem:s23+$0x8000]  }
0x12c: {  	v17 =	vld [tilespmem:s23+$0x8010]  }
0x12d: {  	v18 =	vld [tilespmem:s23+$0x8020]  }
0x12e: {  	v20 =	vld [tilespmem:s23+$0x8090]  }
0x12f: {  	v23 =	vld [tilespmem:s23+$0x80A0]  }
.Ltmp5:
0x130: {  	v14 =	vld [tilespmem:s23+$0x80B0];
	(pc) =	sbr.rel @p0 .LBB2_12-.Ltmp5, $4  }
0x131: {  	v21 =	vadd.f32 v16, v22;
	v16 =	vld [tilespmem:s23+$0x80C0]  }
0x132: {  	v22 =	vadd.f32 v17, v24;
	v24 =	vadd.f32 v18, v25;
	v17 =	vld [tilespmem:s23+$0x8030]  }
0x133: {  	v21 =	vadd.f32 v19, v21;
	v18 =	vld [tilespmem:s23+$0x8040]  }
0x134: {  	s24 =	sadd.s32 $0x800, s24;
	v22 =	vadd.f32 v20, v22;
	v19 =	vld [tilespmem:s23+$0x8050];
	v20 =	vadd.f32 v23, v24  }
0x135: {  	v15 =	vadd.f32 v15, v21  }
0x136: {  	v21 =	vld [tilespmem:s23+$0x8054];
	v12 =	vadd.f32 v12, v22  }
0x137: {  	v22 =	vld [tilespmem:s23+$0x80D0];
	v13 =	vadd.f32 v13, v20;
	v4 =	vadd.f32 v4, v15  }
0x138: {  	v15 =	vld [tilespmem:s23+$0x80D4];
	v8 =	vadd.f32 v17, v8;
	v5 =	vadd.f32 v5, v12  }
0x139: {  	v12 =	vld [tilespmem:s23+$0x8150];
	v6 =	vadd.f32 v6, v13;
	v11 =	vadd.f32 v18, v11  }
0x13a: {  	v13 =	vld [tilespmem:s23+$0x8154];
	v10 =	vadd.f32 v19, v10;
	v8 =	vadd.f32 v14, v8  }
0x13b: {  	v14 =	vld [tilespmem:s23+$0x81D0];
	v9 =	vadd.f32 v21, v9;
	v11 =	vadd.f32 v16, v11  }
0x13c: {  	v16 =	vld [tilespmem:s23+$0x81D4];
	v10 =	vadd.f32 v22, v10;
	v3 =	vadd.f32 v3, v8  }
0x13d: {  	[tilespmem:$0x1EB00] =	vst v4;
	v8 =	vadd.f32 v15, v9;
	v7 =	vadd.f32 v7, v11  }
0x13e: {  	[tilespmem:$0x1EB10] =	vst v5;
	v4 =	vadd.f32 v12, v10;
	v2 =	vadd.f32 v2, v3  }
0x13f: {  	[tilespmem:$0x1EB20] =	vst v6;
	v3 =	vadd.f32 v13, v8;
	v1 =	vadd.f32 v1, v7  }
0x140: {  	v4 =	vadd.f32 v14, v4;
	[tilespmem:$0x1EB30] =	vst v2  }
0x141: {  	v2 =	vadd.f32 v16, v3;
	[tilespmem:$0x1EB40] =	vst v1  }
0x142: {  	[tilespmem:$0x1EB50] =	vst v4  }
0x143: {  	[tilespmem:$0x1EB54] =	vst v2  }
0x144: {  	_ =	swait.ge [sflag:s19], $0x3200  }
0x145: {  	[sflag:s19] =	ssyncset.done $0x0  }
0x146: {  	[sflag:s19] =	ssyncadd.s32 $0xFFFFCE00  }
0x147: {  	_ =	swait.ge [sflag:s19], $0x3200  }
0x148: {  	[sflag:s19] =	ssyncset.done $0x0  }
0x149: {  	s23 =	simm.s32 $0x0;
	[sflag:s19] =	ssyncadd.s32 $0xFFFFCE00  }
0x14a: {  	v4 =	vld [tilespmem:s23+$0xE580]  }
0x14b: {  	v5 =	vld [tilespmem:s23+$0xE590]  }
0x14c: {  	v6 =	vld [tilespmem:s23+$0xE5A0]  }
0x14d: {  	v2 =	vld [tilespmem:s23+$0xE5B0]  }
0x14e: {  	v1 =	vld [tilespmem:s23+$0xE5C0]  }
0x14f: {  	v15 =	vld [tilespmem:s23+$0xE500]  }
0x150: {  	v12 =	vld [tilespmem:s23+$0xE510]  }
0x151: {  	v13 =	vld [tilespmem:s23+$0xE520]  }
0x152: {  	v3 =	vld [tilespmem:s23+$0xE530]  }
0x153: {  	v9 =	vld [tilespmem:s23+$0xE480]  }
0x154: {  	v10 =	vld [tilespmem:s23+$0xE400]  }
0x155: {  	v11 =	vld [tilespmem:s23+$0xE410]  }
0x156: {  	v17 =	vld [tilespmem:s23+$0xE420]  }
0x157: {  	v19 =	vld [tilespmem:s23+$0xE490]  }
0x158: {  	v20 =	vld [tilespmem:s23+$0xE4A0]  }
0x159: {  	v8 =	vimm.f32 $0.0e+00;
	v7 =	vld [tilespmem:s23+$0xE540]  }
0x15a: {  	v14 =	vld [tilespmem:s23+$0xE4B0];
	v10 =	vadd.f32 v10, v8  }
0x15b: {  	v16 =	vld [tilespmem:s23+$0xE4C0];
	v11 =	vadd.f32 v11, v8;
	v23 =	vadd.f32 v17, v8  }
0x15c: {  	v18 =	vld [tilespmem:s23+$0xE440];
	v21 =	vadd.f32 v9, v10  }
0x15d: {  	v17 =	vld [tilespmem:s23+$0xE430];
	v22 =	vadd.f32 v19, v11;
	v20 =	vadd.f32 v20, v23  }
0x15e: {  	s24 =	simm.s32 $0x800;
	v19 =	vld [tilespmem:s23+$0xE450];
	v11 =	vimm.f32 $0.0e+00;
	v10 =	vimm.f32 $0.0e+00;
	v9 =	vimm.f32 $0.0e+00  }
.LBB2_14:
0x15f: {  	p0 =	sne.s32 s24, $0x18800;
	v23 =	vld [tilespmem:s23+$0xE454];
	v15 =	vadd.f32 v15, v21  }
0x160: {  	v21 =	vld [tilespmem:s23+$0xE4D0];
	v12 =	vadd.f32 v12, v22;
	v13 =	vadd.f32 v13, v20  }
0x161: {  	v20 =	vld [tilespmem:s23+$0xE4D4];
	v22 =	vadd.f32 v4, v15  }
0x162: {  	v15 =	vld [tilespmem:s23+$0xE550];
	v24 =	vadd.f32 v5, v12;
	v25 =	vadd.f32 v6, v13  }
0x163: {  	v4 =	vadd.f32 v17, v8;
	v5 =	vadd.f32 v18, v11;
	v8 =	vld [tilespmem:s23+$0xE554]  }
0x164: {  	v6 =	vadd.f32 v19, v10;
	v9 =	vadd.f32 v23, v9;
	v10 =	vld [tilespmem:s23+$0xE5D0]  }
0x165: {  	v11 =	vadd.f32 v14, v4;
	v12 =	vadd.f32 v16, v5;
	v13 =	vld [tilespmem:s23+$0xE5D4];
	s23 =	sshra.s32 s24, $0x2  }
0x166: {  	v14 =	vadd.f32 v21, v6;
	v4 =	vld [tilespmem:s23+$0xE580];
	v9 =	vadd.f32 v20, v9  }
0x167: {  	v3 =	vadd.f32 v3, v11;
	v7 =	vadd.f32 v7, v12;
	v5 =	vld [tilespmem:s23+$0xE590]  }
0x168: {  	v12 =	vadd.f32 v15, v14;
	v6 =	vld [tilespmem:s23+$0xE5A0];
	v9 =	vadd.f32 v8, v9  }
0x169: {  	v8 =	vadd.f32 v2, v3;
	v11 =	vadd.f32 v1, v7;
	v2 =	vld [tilespmem:s23+$0xE5B0]  }
0x16a: {  	v10 =	vadd.f32 v10, v12;
	v1 =	vld [tilespmem:s23+$0xE5C0];
	v9 =	vadd.f32 v13, v9  }
0x16b: {  	v15 =	vld [tilespmem:s23+$0xE500]  }
0x16c: {  	v12 =	vld [tilespmem:s23+$0xE510]  }
0x16d: {  	v13 =	vld [tilespmem:s23+$0xE520]  }
0x16e: {  	v3 =	vld [tilespmem:s23+$0xE530]  }
0x16f: {  	v7 =	vld [tilespmem:s23+$0xE540]  }
0x170: {  	v19 =	vld [tilespmem:s23+$0xE480]  }
0x171: {  	v16 =	vld [tilespmem:s23+$0xE400]  }
0x172: {  	v17 =	vld [tilespmem:s23+$0xE410]  }
0x173: {  	v18 =	vld [tilespmem:s23+$0xE420]  }
0x174: {  	v20 =	vld [tilespmem:s23+$0xE490]  }
0x175: {  	v23 =	vld [tilespmem:s23+$0xE4A0]  }
.Ltmp6:
0x176: {  	v14 =	vld [tilespmem:s23+$0xE4B0];
	(pc) =	sbr.rel @p0 .LBB2_14-.Ltmp6, $4  }
0x177: {  	v21 =	vadd.f32 v16, v22;
	v16 =	vld [tilespmem:s23+$0xE4C0]  }
0x178: {  	v22 =	vadd.f32 v17, v24;
	v24 =	vadd.f32 v18, v25;
	v17 =	vld [tilespmem:s23+$0xE430]  }
0x179: {  	v21 =	vadd.f32 v19, v21;
	v18 =	vld [tilespmem:s23+$0xE440]  }
0x17a: {  	s24 =	sadd.s32 $0x800, s24;
	v22 =	vadd.f32 v20, v22;
	v19 =	vld [tilespmem:s23+$0xE450];
	v20 =	vadd.f32 v23, v24  }
0x17b: {  	v15 =	vadd.f32 v15, v21  }
0x17c: {  	v55 =	vld [tilespmem:s23+$0xE454];
	v12 =	vadd.f32 v12, v22  }
0x17d: {  	v56 =	vld [tilespmem:s23+$0xE4D0];
	v13 =	vadd.f32 v13, v20;
	v4 =	vadd.f32 v4, v15  }
0x17e: {  	v57 =	vld [tilespmem:s23+$0xE4D4];
	v8 =	vadd.f32 v17, v8;
	v5 =	vadd.f32 v5, v12  }
0x17f: {  	v58 =	vld [tilespmem:s23+$0xE550];
	v6 =	vadd.f32 v6, v13;
	v11 =	vadd.f32 v18, v11  }
0x180: {  	v59 =	vld [tilespmem:s23+$0xE554];
	v10 =	vadd.f32 v19, v10;
	v8 =	vadd.f32 v14, v8  }
0x181: {  	v60 =	vld [tilespmem:s23+$0xE5D0];
	v9 =	vadd.f32 v55, v9;
	v11 =	vadd.f32 v16, v11  }
0x182: {  	v61 =	vld [tilespmem:s23+$0xE5D4];
	v10 =	vadd.f32 v56, v10;
	v3 =	vadd.f32 v3, v8  }
0x183: {  	[tilespmem:$0x1EB80] =	vst v4;
	v62 =	vadd.f32 v57, v9;
	v7 =	vadd.f32 v7, v11  }
0x184: {  	[tilespmem:$0x1EB90] =	vst v5;
	v63 =	vadd.f32 v58, v10;
	v2 =	vadd.f32 v2, v3  }
0x185: {  	[tilespmem:$0x1EBA0] =	vst v6;
	v3 =	vadd.f32 v59, v62;
	v1 =	vadd.f32 v1, v7  }
0x186: {  	v4 =	vadd.f32 v60, v63;
	[tilespmem:$0x1EBB0] =	vst v2  }
0x187: {  	s22 =	sadd.s32 $0x1, s22;
	v2 =	vadd.f32 v61, v3;
	[tilespmem:$0x1EBC0] =	vst v1  }
0x188: {  	p0 =	sne.s32 s22, s6;
	[tilespmem:$0x1EBD0] =	vst v4  }
.Ltmp7:
0x189: {  	[tilespmem:$0x1EBD4] =	vst v2;
	(pc) =	sbr.rel @p0 .LBB2_1-.Ltmp7, $4  }
0x18a: {  	[hbm4b:s5+s2] =	stream.linear.scatter [tilespmem:s21], [sflag:$0x4], $0x4000, $0x38;
	[tilespmem:$0x1EC00] =	vst v63  }
0x18b: {  	_ =	swait.ge [sflag:s7], $0x4000  }
0x18c: {  	[sflag:s7] =	ssyncset.done $0x0  }
0x18d: {  	[sflag:s7] =	ssyncadd.s32 $0xFFFFC000  }
0x18e: {  	_ =	sfence.sel $0x180000  }
0x18f: {  	[bflag:$0x0] =	sbarrier.arrive $0xFFFF  }
0x190: {  	p0 =	sne.s32 s0, $0x0;
	_ =	strace $0x90000047  }
0x191: {  	s0 =	sadd.s32 @!p0 $0x100000, s1;
	[bflag:$0x2] =	sbarrier.arrive $0xFFFF  }
0x192: {  	[sflag:s0] =	ssyncadd.tile.s32 @!p0 $0x1;
	_ =	shalt  }
.Lfunc_end2:
_tile_overlayer_lowered:
.L_overlay_start_2:
0x193: {  	(tag) =	ssettag $0x2  }
0x194: {  	s0 =	rddreg [dreg:$0x0];
	s2 =	stileid.u32  }
0x195: {  	s1 =	rddreg [dreg:$0x1];
	p0 =	sne.s32 s2, $0x0  }
0x196: {  	s3 =	rddreg [dreg:$0x2];
	[bflag:$0x3] =	sbarrier.arrive $0xFFFF;
	s2 =	simm.s32 @!p0 $0x1C04  }
0x197: {  	[timem:s3], [sflag:s2] =	dma.local @!p0 [hbm:s0], s1  }
0x198: {  	s0 =	simm.s32 @!p0 $0x4  }
0x199: {  	_ =	swait.ge @!p0 [sflag:s0], s1  }
0x19a: {  	s1 =	ssub.s32 @!p0 $0x0, s1;
	[sflag:s0] =	ssyncset.done @!p0 $0x0  }
0x19b: {  	[sflag:s0] =	ssyncadd.s32 @!p0 s1  }
0x19c: {  	[bflag:$0x3] =	sbarrier.arrive $0xFFFF  }
0x19d: {  	_ =	shalt  }

</sc_bundles>
